<compile_context>
chip_gen: v7x
topology: tpu7x:2x2x1
jax: 0.10.2.dev20260603
libtpu: 0.0.44.dev20260713+nightly
codegen_flags: <defaults>
</compile_context>

<pallas_src>
import jax
import jax.numpy as jnp
from jax import lax
from jax.experimental import pallas as pl
from jax.experimental.pallas import tpu as pltpu
from jax.experimental.pallas import tpu_sc as plsc

N_NODES = 10000
N_EDGES = 320000
D = 128
DH = D // 2

NC = 2
NS = 16
NBUF = 3

EPT = N_EDGES // NS
CHUNK = 400
NITER = EPT // CHUNK

RBLK = 80
TILE_ROW_BASE = 640

SELU_ALPHA = 1.6732632423543772
SELU_SCALE = 1.0507009873554805


def _sc_body(feat_hbm, eidx_hbm, agg_hbm,
             idx0, idx1, idx2, rows0, rows1, rows2, agg_sh,
             sem0, sem1, sem2, isem0, isem1, isem2, wsem):
    c = lax.axis_index("c")
    s = lax.axis_index("s")

    row_base = s * TILE_ROW_BASE
    nblk = jnp.where(s < NS - 1, 8, 5)

    def _zrow(i, _):
        for j in range(DH // 16):
            rows0[i, pl.ds(j * 16, 16)] = jnp.zeros((16,), jnp.float32)
        return 0
    lax.fori_loop(0, RBLK, _zrow, 0)

    def _zcopy(k, _):
        pltpu.sync_copy(rows0.at[pl.ds(0, RBLK)],
                        agg_sh.at[pl.ds(row_base + k * RBLK, RBLK)])
        return 0
    lax.fori_loop(0, nblk, _zcopy, 0)

    plsc.subcore_barrier()

    idx = (idx0, idx1, idx2)
    rows = (rows0, rows1, rows2)
    sems = (sem0, sem1, sem2)
    isems = (isem0, isem1, isem2)

    col = c * DH
    feat_c = feat_hbm.at[pl.ds(c, NC * N_NODES - 1)]

    def _fire_idx(i, b):
        pltpu.async_copy(eidx_hbm.at[s, i], idx[b], isems[b])

    def _fire_gather(i, b):
        pltpu.make_async_copy(eidx_hbm.at[s, i], idx[b], isems[b]).wait()
        pltpu.async_copy(feat_c.at[idx[b].at[0]], rows[b], sems[b])

    _fire_idx(0, 0)
    _fire_idx(1, 1)
    _fire_gather(0, 0)

    def _outer(g, _):
        for b in range(NBUF):
            i = NBUF * g + b

            @pl.when(i + 1 < NITER)
            def _():
                _fire_gather(i + 1, (b + 1) % NBUF)

            @pl.when(i < NITER)
            def _():
                pltpu.make_async_copy(feat_c.at[idx[b].at[0]],
                                      rows[b], sems[b]).wait()
                pltpu.async_copy(rows[b], agg_sh.at[idx[b].at[1]], wsem,
                                 add=True)

            @pl.when((i >= 1) & (i < NITER + 1))
            def _():
                bp = (b + NBUF - 1) % NBUF
                pltpu.make_async_copy(rows[bp], agg_sh.at[idx[bp].at[1]],
                                      wsem).wait()

            @pl.when(i + 2 < NITER)
            def _():
                _fire_idx(i + 2, (b + 2) % NBUF)
        return 0
    lax.fori_loop(0, (NITER + NBUF + 1) // NBUF, _outer, 0)

    plsc.subcore_barrier()

    def _wcopy(k, _):
        off = row_base + k * RBLK
        pltpu.sync_copy(agg_sh.at[pl.ds(off, RBLK)],
                        agg_hbm.at[pl.ds(off, RBLK), pl.ds(col, DH)])
        return 0
    lax.fori_loop(0, nblk, _wcopy, 0)


def _sc_scatter(features, eidx):
    mesh = plsc.VectorSubcoreMesh(core_axis_name="c", subcore_axis_name="s")
    f = pl.kernel(
        _sc_body,
        out_type=jax.ShapeDtypeStruct((N_NODES, D), jnp.float32),
        mesh=mesh,
        compiler_params=pltpu.CompilerParams(use_tc_tiling_on_sc=False),
        scratch_types=[
            pltpu.VMEM((2, CHUNK), jnp.int32),
            pltpu.VMEM((2, CHUNK), jnp.int32),
            pltpu.VMEM((2, CHUNK), jnp.int32),
            pltpu.VMEM((CHUNK, DH), jnp.float32),
            pltpu.VMEM((CHUNK, DH), jnp.float32),
            pltpu.VMEM((CHUNK, DH), jnp.float32),
            pltpu.VMEM_SHARED((N_NODES, DH), jnp.float32),
            pltpu.SemaphoreType.DMA,
            pltpu.SemaphoreType.DMA,
            pltpu.SemaphoreType.DMA,
            pltpu.SemaphoreType.DMA,
            pltpu.SemaphoreType.DMA,
            pltpu.SemaphoreType.DMA,
            pltpu.SemaphoreType.DMA,
        ],
    )
    return f(features, eidx)


def _final_body(f_ref, a_ref, w_ref, sw_ref, b_ref, out_ref):
    wsw = w_ref[...] * sw_ref[...]
    x = (jnp.dot(f_ref[...], wsw, preferred_element_type=jnp.float32)
         + jnp.dot(a_ref[...], w_ref[...], preferred_element_type=jnp.float32)
         + b_ref[...])
    out_ref[...] = jnp.where(
        x > 0, SELU_SCALE * x, SELU_SCALE * SELU_ALPHA * (jnp.exp(x) - 1.0))


def _tc_final(features, agg, W, skip_weight, bias):
    grid = (N_NODES // 1000,)
    return pl.pallas_call(
        _final_body,
        grid=grid,
        in_specs=[
            pl.BlockSpec((1000, D), lambda i: (i, 0)),
            pl.BlockSpec((1000, D), lambda i: (i, 0)),
            pl.BlockSpec((D, D), lambda i: (0, 0)),
            pl.BlockSpec((1, D), lambda i: (0, 0)),
            pl.BlockSpec((1, D), lambda i: (0, 0)),
        ],
        out_specs=pl.BlockSpec((1000, D), lambda i: (i, 0)),
        out_shape=jax.ShapeDtypeStruct((N_NODES, D), jnp.float32),
    )(features, agg, W, skip_weight, bias)


@jax.jit
def kernel(features, edge_index, W, bias, skip_weight):
    eidx = (edge_index * jnp.array([[2], [1]], jnp.int32)
            ).reshape(2, NS, NITER, CHUNK).transpose(1, 2, 0, 3)
    feat_r = features.reshape(N_NODES * NC, DH)
    agg = _sc_scatter(feat_r, eidx)
    return _tc_final(features, agg, W,
                     skip_weight.reshape(1, D), bias.reshape(1, D))

# --- scband reference (transcript-rebuilt; emitter-appended) ---
"""Pipeline reference for scband-gcnconv-78821239816696 (READ-ONLY COPY).

The authoritative reference and input builder live on the scoring server;
editing this copy changes nothing except your own understanding.
"""

import jax, jax.numpy as jnp
import numpy as np

N = 10000
E = 320000
D_IN = 128
D_OUT = 128


def setup_inputs(seed: int = 0) -> dict:
    key = jax.random.key(seed)
    k1, k2, k3, k4, k5 = jax.random.split(key, 5)
    features = jax.random.normal(k1, (N, D_IN), dtype=jnp.float32)
    edge_index = jax.random.randint(k2, (2, E), 0, N, dtype=jnp.int32)
    # Learned parameters (kernel is nn.Linear(in, out, bias=False); store as [in, out])
    W = jax.random.normal(k3, (D_IN, D_OUT), dtype=jnp.float32) * 0.05
    bias = jax.random.normal(k4, (D_OUT,), dtype=jnp.float32) * 0.01
    skip_weight = jnp.ones((D_OUT,), dtype=jnp.float32) + jax.random.normal(k5, (D_OUT,), dtype=jnp.float32) * 0.01
    return {"features": features, "edge_index": edge_index, "W": W, "bias": bias, "skip_weight": skip_weight}


def reference(features, edge_index, W, bias, skip_weight):
    # output = self.kernel(features)
    output = features @ W
    # skip_term = output * self.skip_weight
    skip_term = output * skip_weight
    # matmul(graph, output): sparse adjacency (binary) times dense output
    # -> gather source-node rows, scatter-add to destination nodes
    src = edge_index[0]
    dst = edge_index[1]
    messages = jnp.take(output, src, axis=0)
    agg = jax.ops.segment_sum(messages, dst, num_segments=N)
    out = skip_term + agg + bias
    return jax.nn.selu(out)

if __name__ == "__main__":
    import jax
    _d = setup_inputs()
    print(jax.jit(kernel)(*tuple(_d.values())))

</pallas_src>

<mosaic_0001>
#map = affine_map<(d0, d1) -> (0, 0)>
#map1 = affine_map<(d0, d1) -> (0, 0, 0, 0)>
module attributes {stable_mosaic.version = 14 : i64} {
  func.func @_sc_body(%arg0: i32, %arg1: i32, %arg2: memref<20000x64xf32, #tpu.memory_space<hbm>>, %arg3: memref<16x50x2x400xi32, #tpu.memory_space<hbm>>, %arg4: memref<10000x128xf32, #tpu.memory_space<hbm>>, %arg5: memref<2x400xi32, #tpu.memory_space<vmem>>, %arg6: memref<2x400xi32, #tpu.memory_space<vmem>>, %arg7: memref<2x400xi32, #tpu.memory_space<vmem>>, %arg8: memref<400x64xf32, #tpu.memory_space<vmem>>, %arg9: memref<400x64xf32, #tpu.memory_space<vmem>>, %arg10: memref<400x64xf32, #tpu.memory_space<vmem>>, %arg11: memref<10000x64xf32, #tpu.memory_space<vmem_shared>>, %arg12: memref<!tpu.dma_semaphore, #tpu.memory_space<semaphore_mem>>, %arg13: memref<!tpu.dma_semaphore, #tpu.memory_space<semaphore_mem>>, %arg14: memref<!tpu.dma_semaphore, #tpu.memory_space<semaphore_mem>>, %arg15: memref<!tpu.dma_semaphore, #tpu.memory_space<semaphore_mem>>, %arg16: memref<!tpu.dma_semaphore, #tpu.memory_space<semaphore_mem>>, %arg17: memref<!tpu.dma_semaphore, #tpu.memory_space<semaphore_mem>>, %arg18: memref<!tpu.dma_semaphore, #tpu.memory_space<semaphore_mem>>) attributes {dimension_semantics = [#tpu.dimension_semantics<core_parallel>, #tpu.dimension_semantics<subcore_parallel>], iteration_bounds = array<i64: 2, 16>, scalar_prefetch = 0 : i64, scratch_operands = 14 : i64, tpu.core_type = #tpu.core_type<sc_vector_subcore>, window_params = [{transform_indices = #map}, {transform_indices = #map1}, {transform_indices = #map}]} {
    %mul3A = arith.constant 640 : i32
    %mul3A_0 = arith.muli %arg1, %mul3A : i32
    %lt3A = arith.constant 15 : i32
    %lt3A_1 = arith.cmpi slt, %arg1, %lt3A : i32
    %jit3A = arith.constant 8 : i32
    %jit3A_2 = arith.constant 5 : i32
    %select_n3A = arith.select %lt3A_1, %jit3A, %jit3A_2 : i32
    %scan3A = arith.constant 0 : i32
    %scan3A_3 = arith.constant 0 : i32
    %scan3A_4 = arith.constant 80 : i32
    %scan3A_5 = arith.addi %scan3A_3, %scan3A_4 : i32
    %scan3A_6 = arith.constant 1 : i32
    %scan3A_7 = scf.for %scan3A_76 = %scan3A_3 to %scan3A_5 step %scan3A_6 iter_args(%scan3A_77 = %scan3A) -> (i32)  : i32 {
      %broadcast_in_dim3A = arith.constant 0.000000e+00 : f32
      %broadcast_in_dim3A_78 = vector.broadcast %broadcast_in_dim3A : f32 to vector<16xf32>
      %swap3A = arith.index_cast %scan3A_76 : i32 to index
      %swap3A_79 = arith.constant 0 : index
      %swap3A_80 = tpu.vector_load %arg8[%swap3A, %swap3A_79] {strides = array<i32>} : memref<400x64xf32, #tpu.memory_space<vmem>>, vector<1x16xf32>,
      %swap3A_81 = vector.shape_cast %swap3A_80 : vector<1x16xf32> to vector<16xf32>
      %swap3A_82 = vector.shape_cast %broadcast_in_dim3A_78 : vector<16xf32> to vector<1x16xf32>
      tpu.vector_store %arg8[%swap3A, %swap3A_79], %swap3A_82 {strides = array<i32>} : memref<400x64xf32, #tpu.memory_space<vmem>>, vector<1x16xf32>,
      %broadcast_in_dim3A_83 = arith.constant 0.000000e+00 : f32
      %broadcast_in_dim3A_84 = vector.broadcast %broadcast_in_dim3A_83 : f32 to vector<16xf32>
      %swap3A_85 = arith.index_cast %scan3A_76 : i32 to index
      %swap3A_86 = arith.constant 16 : index
      %swap3A_87 = tpu.vector_load %arg8[%swap3A_85, %swap3A_86] {strides = array<i32>} : memref<400x64xf32, #tpu.memory_space<vmem>>, vector<1x16xf32>,
      %swap3A_88 = vector.shape_cast %swap3A_87 : vector<1x16xf32> to vector<16xf32>
      %swap3A_89 = vector.shape_cast %broadcast_in_dim3A_84 : vector<16xf32> to vector<1x16xf32>
      tpu.vector_store %arg8[%swap3A_85, %swap3A_86], %swap3A_89 {strides = array<i32>} : memref<400x64xf32, #tpu.memory_space<vmem>>, vector<1x16xf32>,
      %broadcast_in_dim3A_90 = arith.constant 0.000000e+00 : f32
      %broadcast_in_dim3A_91 = vector.broadcast %broadcast_in_dim3A_90 : f32 to vector<16xf32>
      %swap3A_92 = arith.index_cast %scan3A_76 : i32 to index
      %swap3A_93 = arith.constant 32 : index
      %swap3A_94 = tpu.vector_load %arg8[%swap3A_92, %swap3A_93] {strides = array<i32>} : memref<400x64xf32, #tpu.memory_space<vmem>>, vector<1x16xf32>,
      %swap3A_95 = vector.shape_cast %swap3A_94 : vector<1x16xf32> to vector<16xf32>
      %swap3A_96 = vector.shape_cast %broadcast_in_dim3A_91 : vector<16xf32> to vector<1x16xf32>
      tpu.vector_store %arg8[%swap3A_92, %swap3A_93], %swap3A_96 {strides = array<i32>} : memref<400x64xf32, #tpu.memory_space<vmem>>, vector<1x16xf32>,
      %broadcast_in_dim3A_97 = arith.constant 0.000000e+00 : f32
      %broadcast_in_dim3A_98 = vector.broadcast %broadcast_in_dim3A_97 : f32 to vector<16xf32>
      %swap3A_99 = arith.index_cast %scan3A_76 : i32 to index
      %swap3A_100 = arith.constant 48 : index
      %swap3A_101 = tpu.vector_load %arg8[%swap3A_99, %swap3A_100] {strides = array<i32>} : memref<400x64xf32, #tpu.memory_space<vmem>>, vector<1x16xf32>,
      %swap3A_102 = vector.shape_cast %swap3A_101 : vector<1x16xf32> to vector<16xf32>
      %swap3A_103 = vector.shape_cast %broadcast_in_dim3A_98 : vector<16xf32> to vector<1x16xf32>
      tpu.vector_store %arg8[%swap3A_99, %swap3A_100], %swap3A_103 {strides = array<i32>} : memref<400x64xf32, #tpu.memory_space<vmem>>, vector<1x16xf32>,
      %scan3A_104 = arith.constant 0 : i32
      scf.yield %scan3A_104 : i32
    }
    %scan3A_8 = arith.constant 80 : i32
    %while3A = arith.constant 0 : i32
    %while3A_9 = arith.constant 0 : i32
    %while3A_10 = arith.subi %select_n3A, %while3A : i32
    %while3A_11 = arith.addi %while3A, %while3A_10 : i32
    %while3A_12 = arith.constant 1 : i32
    %while3A_13 = arith.divsi %while3A_10, %while3A_12 : i32
    %while3A_14 = arith.muli %while3A_13, %while3A_12 : i32
    %while3A_15 = arith.addi %while3A, %while3A_14 : i32
    %while3A_16 = arith.constant 1 : i32
    %while3A_17 = scf.for %while3A_76 = %while3A to %while3A_15 step %while3A_16 iter_args(%while3A_77 = %while3A_9) -> (i32)  : i32 {
      %mul3A_78 = arith.constant 80 : i32
      %mul3A_79 = arith.muli %while3A_76, %mul3A_78 : i32
      %add3A = arith.addi %mul3A_0, %mul3A_79 : i32
      "tpu.region"() ({
        %run_scoped3A = tpu.sem_alloc : memref<!tpu.dma_semaphore, #tpu.memory_space<semaphore_mem>>
        %dma_start3A_81 = arith.constant 0 : i32
        %dma_start3A_82 = arith.constant 0 : i32
        %dma_start3A_83 = tpu.memref_slice %arg8[%dma_start3A_81, %dma_start3A_82] : memref<400x64xf32, #tpu.memory_space<vmem>> -> memref<80x64xf32, #tpu.memory_space<vmem>>
        %dma_start3A_84 = arith.constant 0 : i32
        %dma_start3A_85 = tpu.memref_slice %arg11[%add3A, %dma_start3A_84] : memref<10000x64xf32, #tpu.memory_space<vmem_shared>> -> memref<80x64xf32, #tpu.memory_space<vmem_shared>>
        %dma_start3A_86 = arith.constant 0 : i32
        %dma_start3A_87 = tpu.memref_slice %arg11[%add3A, %dma_start3A_86] : memref<10000x64xf32, #tpu.memory_space<vmem_shared>> -> memref<80x64xf32, #tpu.memory_space<vmem_shared>>
        %dma_start3A_88 = arith.constant 0 : i32
        %dma_start3A_89 = arith.constant 0 : i32
        %dma_start3A_90 = tpu.memref_slice %arg8[%dma_start3A_88, %dma_start3A_89] : memref<400x64xf32, #tpu.memory_space<vmem>> -> memref<80x64xf32, #tpu.memory_space<vmem>>
        tpu.enqueue_dma source(%dma_start3A_90 : memref<80x64xf32, #tpu.memory_space<vmem>>) target(%dma_start3A_87 : memref<80x64xf32, #tpu.memory_space<vmem_shared>>) target_semaphore(%run_scoped3A : memref<!tpu.dma_semaphore, #tpu.memory_space<semaphore_mem>>)
        %dma_wait3A_91 = arith.constant 0 : i32
        %dma_wait3A_92 = arith.constant 0 : i32
        %dma_wait3A_93 = tpu.memref_slice %arg8[%dma_wait3A_91, %dma_wait3A_92] : memref<400x64xf32, #tpu.memory_space<vmem>> -> memref<80x64xf32, #tpu.memory_space<vmem>>
        %dma_wait3A_94 = arith.constant 0 : i32
        %dma_wait3A_95 = tpu.memref_slice %arg11[%add3A, %dma_wait3A_94] : memref<10000x64xf32, #tpu.memory_space<vmem_shared>> -> memref<80x64xf32, #tpu.memory_space<vmem_shared>>
        %dma_wait3A_96 = arith.constant 0 : i32
        %dma_wait3A_97 = tpu.memref_slice %arg11[%add3A, %dma_wait3A_96] : memref<10000x64xf32, #tpu.memory_space<vmem_shared>> -> memref<80x64xf32, #tpu.memory_space<vmem_shared>>
        %dma_wait3A_98 = arith.constant 0 : i32
        %dma_wait3A_99 = arith.constant 0 : i32
        %dma_wait3A_100 = tpu.memref_slice %arg8[%dma_wait3A_98, %dma_wait3A_99] : memref<400x64xf32, #tpu.memory_space<vmem>> -> memref<80x64xf32, #tpu.memory_space<vmem>>
        tpu.wait_dma2 semaphore(%run_scoped3A : memref<!tpu.dma_semaphore, #tpu.memory_space<semaphore_mem>>) src(%dma_wait3A_100 : memref<80x64xf32, #tpu.memory_space<vmem>>) dst(%dma_wait3A_97 : memref<80x64xf32, #tpu.memory_space<vmem_shared>>)
        tpu.yield
      }) : () -> ()
      %while3A_80 = arith.constant 0 : i32
      scf.yield %while3A_80 : i32
    }
    %while3A_18 = arith.constant 1 : i32
    %while3A_19 = scf.for %while3A_76 = %while3A_15 to %while3A_11 step %while3A_18 iter_args(%while3A_77 = %while3A_17) -> (i32)  : i32 {
      %mul3A_78 = arith.constant 80 : i32
      %mul3A_79 = arith.muli %while3A_76, %mul3A_78 : i32
      %add3A = arith.addi %mul3A_0, %mul3A_79 : i32
      "tpu.region"() ({
        %run_scoped3A = tpu.sem_alloc : memref<!tpu.dma_semaphore, #tpu.memory_space<semaphore_mem>>
        %dma_start3A_81 = arith.constant 0 : i32
        %dma_start3A_82 = arith.constant 0 : i32
        %dma_start3A_83 = tpu.memref_slice %arg8[%dma_start3A_81, %dma_start3A_82] : memref<400x64xf32, #tpu.memory_space<vmem>> -> memref<80x64xf32, #tpu.memory_space<vmem>>
        %dma_start3A_84 = arith.constant 0 : i32
        %dma_start3A_85 = tpu.memref_slice %arg11[%add3A, %dma_start3A_84] : memref<10000x64xf32, #tpu.memory_space<vmem_shared>> -> memref<80x64xf32, #tpu.memory_space<vmem_shared>>
        %dma_start3A_86 = arith.constant 0 : i32
        %dma_start3A_87 = tpu.memref_slice %arg11[%add3A, %dma_start3A_86] : memref<10000x64xf32, #tpu.memory_space<vmem_shared>> -> memref<80x64xf32, #tpu.memory_space<vmem_shared>>
        %dma_start3A_88 = arith.constant 0 : i32
        %dma_start3A_89 = arith.constant 0 : i32
        %dma_start3A_90 = tpu.memref_slice %arg8[%dma_start3A_88, %dma_start3A_89] : memref<400x64xf32, #tpu.memory_space<vmem>> -> memref<80x64xf32, #tpu.memory_space<vmem>>
        tpu.enqueue_dma source(%dma_start3A_90 : memref<80x64xf32, #tpu.memory_space<vmem>>) target(%dma_start3A_87 : memref<80x64xf32, #tpu.memory_space<vmem_shared>>) target_semaphore(%run_scoped3A : memref<!tpu.dma_semaphore, #tpu.memory_space<semaphore_mem>>)
        %dma_wait3A_91 = arith.constant 0 : i32
        %dma_wait3A_92 = arith.constant 0 : i32
        %dma_wait3A_93 = tpu.memref_slice %arg8[%dma_wait3A_91, %dma_wait3A_92] : memref<400x64xf32, #tpu.memory_space<vmem>> -> memref<80x64xf32, #tpu.memory_space<vmem>>
        %dma_wait3A_94 = arith.constant 0 : i32
        %dma_wait3A_95 = tpu.memref_slice %arg11[%add3A, %dma_wait3A_94] : memref<10000x64xf32, #tpu.memory_space<vmem_shared>> -> memref<80x64xf32, #tpu.memory_space<vmem_shared>>
        %dma_wait3A_96 = arith.constant 0 : i32
        %dma_wait3A_97 = tpu.memref_slice %arg11[%add3A, %dma_wait3A_96] : memref<10000x64xf32, #tpu.memory_space<vmem_shared>> -> memref<80x64xf32, #tpu.memory_space<vmem_shared>>
        %dma_wait3A_98 = arith.constant 0 : i32
        %dma_wait3A_99 = arith.constant 0 : i32
        %dma_wait3A_100 = tpu.memref_slice %arg8[%dma_wait3A_98, %dma_wait3A_99] : memref<400x64xf32, #tpu.memory_space<vmem>> -> memref<80x64xf32, #tpu.memory_space<vmem>>
        tpu.wait_dma2 semaphore(%run_scoped3A : memref<!tpu.dma_semaphore, #tpu.memory_space<semaphore_mem>>) src(%dma_wait3A_100 : memref<80x64xf32, #tpu.memory_space<vmem>>) dst(%dma_wait3A_97 : memref<80x64xf32, #tpu.memory_space<vmem_shared>>)
        tpu.yield
      }) : () -> ()
      %while3A_80 = arith.constant 0 : i32
      scf.yield %while3A_80 : i32
    }
    %barrier3A = arith.constant 0 : index
    tpu.barrier barrier_id(%barrier3A)
    %mul3A_20 = arith.constant 64 : i32
    %mul3A_21 = arith.muli %arg0, %mul3A_20 : i32
    %dma_start3A = arith.constant 0 : i32
    %dma_start3A_22 = arith.constant 0 : i32
    %dma_start3A_23 = arith.constant 0 : i32
    %dma_start3A_24 = tpu.memref_slice %arg3[%arg1, %dma_start3A, %dma_start3A_22, %dma_start3A_23] : memref<16x50x2x400xi32, #tpu.memory_space<hbm>> -> memref<1x1x2x400xi32, #tpu.memory_space<hbm>>
    %dma_start3A_25 = tpu.memref_squeeze %dma_start3A_24 : memref<1x1x2x400xi32, #tpu.memory_space<hbm>> -> memref<2x400xi32, #tpu.memory_space<hbm>>
    %dma_start3A_26 = arith.constant 0 : i32
    %dma_start3A_27 = arith.constant 0 : i32
    %dma_start3A_28 = tpu.memref_slice %arg3[%arg1, %dma_start3A, %dma_start3A_26, %dma_start3A_27] : memref<16x50x2x400xi32, #tpu.memory_space<hbm>> -> memref<1x1x2x400xi32, #tpu.memory_space<hbm>>
    %dma_start3A_29 = tpu.memref_squeeze %dma_start3A_28 : memref<1x1x2x400xi32, #tpu.memory_space<hbm>> -> memref<2x400xi32, #tpu.memory_space<hbm>>
    tpu.enqueue_dma source(%dma_start3A_29 : memref<2x400xi32, #tpu.memory_space<hbm>>) target(%arg5 : memref<2x400xi32, #tpu.memory_space<vmem>>) target_semaphore(%arg15 : memref<!tpu.dma_semaphore, #tpu.memory_space<semaphore_mem>>)
    %dma_start3A_30 = arith.constant 1 : i32
    %dma_start3A_31 = arith.constant 0 : i32
    %dma_start3A_32 = arith.constant 0 : i32
    %dma_start3A_33 = tpu.memref_slice %arg3[%arg1, %dma_start3A_30, %dma_start3A_31, %dma_start3A_32] : memref<16x50x2x400xi32, #tpu.memory_space<hbm>> -> memref<1x1x2x400xi32, #tpu.memory_space<hbm>>
    %dma_start3A_34 = tpu.memref_squeeze %dma_start3A_33 : memref<1x1x2x400xi32, #tpu.memory_space<hbm>> -> memref<2x400xi32, #tpu.memory_space<hbm>>
    %dma_start3A_35 = arith.constant 0 : i32
    %dma_start3A_36 = arith.constant 0 : i32
    %dma_start3A_37 = tpu.memref_slice %arg3[%arg1, %dma_start3A_30, %dma_start3A_35, %dma_start3A_36] : memref<16x50x2x400xi32, #tpu.memory_space<hbm>> -> memref<1x1x2x400xi32, #tpu.memory_space<hbm>>
    %dma_start3A_38 = tpu.memref_squeeze %dma_start3A_37 : memref<1x1x2x400xi32, #tpu.memory_space<hbm>> -> memref<2x400xi32, #tpu.memory_space<hbm>>
    tpu.enqueue_dma source(%dma_start3A_38 : memref<2x400xi32, #tpu.memory_space<hbm>>) target(%arg6 : memref<2x400xi32, #tpu.memory_space<vmem>>) target_semaphore(%arg16 : memref<!tpu.dma_semaphore, #tpu.memory_space<semaphore_mem>>)
    %dma_wait3A = arith.constant 0 : i32
    %dma_wait3A_39 = arith.constant 0 : i32
    %dma_wait3A_40 = arith.constant 0 : i32
    %dma_wait3A_41 = tpu.memref_slice %arg3[%arg1, %dma_wait3A, %dma_wait3A_39, %dma_wait3A_40] : memref<16x50x2x400xi32, #tpu.memory_space<hbm>> -> memref<1x1x2x400xi32, #tpu.memory_space<hbm>>
    %dma_wait3A_42 = tpu.memref_squeeze %dma_wait3A_41 : memref<1x1x2x400xi32, #tpu.memory_space<hbm>> -> memref<2x400xi32, #tpu.memory_space<hbm>>
    %dma_wait3A_43 = arith.constant 0 : i32
    %dma_wait3A_44 = arith.constant 0 : i32
    %dma_wait3A_45 = tpu.memref_slice %arg3[%arg1, %dma_wait3A, %dma_wait3A_43, %dma_wait3A_44] : memref<16x50x2x400xi32, #tpu.memory_space<hbm>> -> memref<1x1x2x400xi32, #tpu.memory_space<hbm>>
    %dma_wait3A_46 = tpu.memref_squeeze %dma_wait3A_45 : memref<1x1x2x400xi32, #tpu.memory_space<hbm>> -> memref<2x400xi32, #tpu.memory_space<hbm>>
    tpu.wait_dma2 semaphore(%arg15 : memref<!tpu.dma_semaphore, #tpu.memory_space<semaphore_mem>>) src(%dma_wait3A_46 : memref<2x400xi32, #tpu.memory_space<hbm>>) dst(%arg5 : memref<2x400xi32, #tpu.memory_space<vmem>>)
    %dma_start3A_47 = arith.constant 0 : i32
    %dma_start3A_48 = arith.constant 0 : i32
    %dma_start3A_49 = tpu.memref_slice %arg5[%dma_start3A_47, %dma_start3A_48] : memref<2x400xi32, #tpu.memory_space<vmem>> -> memref<1x400xi32, #tpu.memory_space<vmem>>
    %dma_start3A_50 = tpu.memref_squeeze %dma_start3A_49 : memref<1x400xi32, #tpu.memory_space<vmem>> -> memref<400xi32, #tpu.memory_space<vmem>>
    %dma_start3A_51 = arith.constant 0 : i32
    %dma_start3A_52 = tpu.memref_slice %arg2[%arg0, %dma_start3A_51] : memref<20000x64xf32, #tpu.memory_space<hbm>> -> memref<19999x64xf32, #tpu.memory_space<hbm>>
    %dma_start3A_53 = arith.constant 0 : i32
    %dma_start3A_54 = arith.constant 0 : i32
    %dma_start3A_55 = tpu.memref_slice %dma_start3A_52[%dma_start3A_53, %dma_start3A_54] : memref<19999x64xf32, #tpu.memory_space<hbm>> -> memref<19999x64xf32, #tpu.memory_space<hbm>>
    tpu.enqueue_indirect_dma source(%dma_start3A_55 : memref<19999x64xf32, #tpu.memory_space<hbm>>) target(%arg8 : memref<400x64xf32, #tpu.memory_space<vmem>>) offsets(%dma_start3A_50 : memref<400xi32, #tpu.memory_space<vmem>>) semaphore(%arg12 : memref<!tpu.dma_semaphore, #tpu.memory_space<semaphore_mem>>)
    %scan3A_56 = arith.constant 0 : i32
    %scan3A_57 = arith.constant 0 : i32
    %scan3A_58 = arith.constant 18 : i32
    %scan3A_59 = arith.addi %scan3A_57, %scan3A_58 : i32
    %scan3A_60 = arith.constant 1 : i32
    %scan3A_61 = scf.for %scan3A_76 = %scan3A_57 to %scan3A_59 step %scan3A_60 iter_args(%scan3A_77 = %scan3A_56) -> (i32)  : i32 {
      %mul3A_78 = arith.constant 3 : i32
      %mul3A_79 = arith.muli %mul3A_78, %scan3A_76 : i32
      %add3A = arith.constant 0 : i32
      %add3A_80 = arith.addi %mul3A_79, %add3A : i32
      %add3A_81 = arith.constant 1 : i32
      %add3A_82 = arith.addi %add3A_80, %add3A_81 : i32
      %lt3A_83 = arith.constant 50 : i32
      %lt3A_84 = arith.cmpi slt, %add3A_82, %lt3A_83 : i32
      %convert_element_type3A = arith.extui %lt3A_84 : i1 to i32
      %cond3A = arith.constant 0 : i32
      %cond3A_85 = arith.cmpi ne, %convert_element_type3A, %cond3A : i32
      scf.if %cond3A_85 {
        %add3A_167 = arith.constant 1 : i32
        %add3A_168 = arith.addi %add3A_80, %add3A_167 : i32
        %dma_wait3A_169 = arith.constant 0 : i32
        %dma_wait3A_170 = arith.constant 0 : i32
        %dma_wait3A_171 = tpu.memref_slice %arg3[%arg1, %add3A_168, %dma_wait3A_169, %dma_wait3A_170] : memref<16x50x2x400xi32, #tpu.memory_space<hbm>> -> memref<1x1x2x400xi32, #tpu.memory_space<hbm>>
        %dma_wait3A_172 = tpu.memref_squeeze %dma_wait3A_171 : memref<1x1x2x400xi32, #tpu.memory_space<hbm>> -> memref<2x400xi32, #tpu.memory_space<hbm>>
        %dma_wait3A_173 = arith.constant 0 : i32
        %dma_wait3A_174 = arith.constant 0 : i32
        %dma_wait3A_175 = tpu.memref_slice %arg3[%arg1, %add3A_168, %dma_wait3A_173, %dma_wait3A_174] : memref<16x50x2x400xi32, #tpu.memory_space<hbm>> -> memref<1x1x2x400xi32, #tpu.memory_space<hbm>>
        %dma_wait3A_176 = tpu.memref_squeeze %dma_wait3A_175 : memref<1x1x2x400xi32, #tpu.memory_space<hbm>> -> memref<2x400xi32, #tpu.memory_space<hbm>>
        tpu.wait_dma2 semaphore(%arg16 : memref<!tpu.dma_semaphore, #tpu.memory_space<semaphore_mem>>) src(%dma_wait3A_176 : memref<2x400xi32, #tpu.memory_space<hbm>>) dst(%arg6 : memref<2x400xi32, #tpu.memory_space<vmem>>)
        %dma_start3A_177 = arith.constant 0 : i32
        %dma_start3A_178 = arith.constant 0 : i32
        %dma_start3A_179 = tpu.memref_slice %arg6[%dma_start3A_177, %dma_start3A_178] : memref<2x400xi32, #tpu.memory_space<vmem>> -> memref<1x400xi32, #tpu.memory_space<vmem>>
        %dma_start3A_180 = tpu.memref_squeeze %dma_start3A_179 : memref<1x400xi32, #tpu.memory_space<vmem>> -> memref<400xi32, #tpu.memory_space<vmem>>
        %dma_start3A_181 = arith.constant 0 : i32
        %dma_start3A_182 = tpu.memref_slice %arg2[%arg0, %dma_start3A_181] : memref<20000x64xf32, #tpu.memory_space<hbm>> -> memref<19999x64xf32, #tpu.memory_space<hbm>>
        %dma_start3A_183 = arith.constant 0 : i32
        %dma_start3A_184 = arith.constant 0 : i32
        %dma_start3A_185 = tpu.memref_slice %dma_start3A_182[%dma_start3A_183, %dma_start3A_184] : memref<19999x64xf32, #tpu.memory_space<hbm>> -> memref<19999x64xf32, #tpu.memory_space<hbm>>
        tpu.enqueue_indirect_dma source(%dma_start3A_185 : memref<19999x64xf32, #tpu.memory_space<hbm>>) target(%arg9 : memref<400x64xf32, #tpu.memory_space<vmem>>) offsets(%dma_start3A_180 : memref<400xi32, #tpu.memory_space<vmem>>) semaphore(%arg13 : memref<!tpu.dma_semaphore, #tpu.memory_space<semaphore_mem>>)
      } else {
      }
      %lt3A_86 = arith.constant 50 : i32
      %lt3A_87 = arith.cmpi slt, %add3A_80, %lt3A_86 : i32
      %convert_element_type3A_88 = arith.extui %lt3A_87 : i1 to i32
      %cond3A_89 = arith.constant 0 : i32
      %cond3A_90 = arith.cmpi ne, %convert_element_type3A_88, %cond3A_89 : i32
      scf.if %cond3A_90 {
        %dma_wait3A_167 = arith.constant 0 : i32
        %dma_wait3A_168 = arith.constant 0 : i32
        %dma_wait3A_169 = tpu.memref_slice %arg5[%dma_wait3A_167, %dma_wait3A_168] : memref<2x400xi32, #tpu.memory_space<vmem>> -> memref<1x400xi32, #tpu.memory_space<vmem>>
        %dma_wait3A_170 = tpu.memref_squeeze %dma_wait3A_169 : memref<1x400xi32, #tpu.memory_space<vmem>> -> memref<400xi32, #tpu.memory_space<vmem>>
        %dma_wait3A_171 = arith.constant 0 : i32
        %dma_wait3A_172 = tpu.memref_slice %arg2[%arg0, %dma_wait3A_171] : memref<20000x64xf32, #tpu.memory_space<hbm>> -> memref<19999x64xf32, #tpu.memory_space<hbm>>
        %dma_wait3A_173 = arith.constant 0 : i32
        %dma_wait3A_174 = arith.constant 0 : i32
        %dma_wait3A_175 = tpu.memref_slice %dma_wait3A_172[%dma_wait3A_173, %dma_wait3A_174] : memref<19999x64xf32, #tpu.memory_space<hbm>> -> memref<19999x64xf32, #tpu.memory_space<hbm>>
        tpu.wait_indirect_dma semaphore(%arg12 : memref<!tpu.dma_semaphore, #tpu.memory_space<semaphore_mem>>) src(%dma_wait3A_175 : memref<19999x64xf32, #tpu.memory_space<hbm>>) dst(%arg8 : memref<400x64xf32, #tpu.memory_space<vmem>>)
        %dma_start3A_176 = arith.constant 1 : i32
        %dma_start3A_177 = arith.constant 0 : i32
        %dma_start3A_178 = tpu.memref_slice %arg5[%dma_start3A_176, %dma_start3A_177] : memref<2x400xi32, #tpu.memory_space<vmem>> -> memref<1x400xi32, #tpu.memory_space<vmem>>
        %dma_start3A_179 = tpu.memref_squeeze %dma_start3A_178 : memref<1x400xi32, #tpu.memory_space<vmem>> -> memref<400xi32, #tpu.memory_space<vmem>>
        %dma_start3A_180 = arith.constant 0 : i32
        %dma_start3A_181 = arith.constant 0 : i32
        %dma_start3A_182 = tpu.memref_slice %arg11[%dma_start3A_180, %dma_start3A_181] : memref<10000x64xf32, #tpu.memory_space<vmem_shared>> -> memref<10000x64xf32, #tpu.memory_space<vmem_shared>>
        tpu.enqueue_indirect_dma source(%arg8 : memref<400x64xf32, #tpu.memory_space<vmem>>) target(%dma_start3A_182 : memref<10000x64xf32, #tpu.memory_space<vmem_shared>>) offsets(%dma_start3A_179 : memref<400xi32, #tpu.memory_space<vmem>>) semaphore(%arg18 : memref<!tpu.dma_semaphore, #tpu.memory_space<semaphore_mem>>) {add = true}
      } else {
      }
      %ge3A = arith.constant 1 : i32
      %ge3A_91 = arith.cmpi sge, %add3A_80, %ge3A : i32
      %lt3A_92 = arith.constant 51 : i32
      %lt3A_93 = arith.cmpi slt, %add3A_80, %lt3A_92 : i32
      %and3A = arith.andi %ge3A_91, %lt3A_93 : i1
      %convert_element_type3A_94 = arith.extui %and3A : i1 to i32
      %cond3A_95 = arith.constant 0 : i32
      %cond3A_96 = arith.cmpi ne, %convert_element_type3A_94, %cond3A_95 : i32
      scf.if %cond3A_96 {
        %dma_wait3A_167 = arith.constant 1 : i32
        %dma_wait3A_168 = arith.constant 0 : i32
        %dma_wait3A_169 = tpu.memref_slice %arg7[%dma_wait3A_167, %dma_wait3A_168] : memref<2x400xi32, #tpu.memory_space<vmem>> -> memref<1x400xi32, #tpu.memory_space<vmem>>
        %dma_wait3A_170 = tpu.memref_squeeze %dma_wait3A_169 : memref<1x400xi32, #tpu.memory_space<vmem>> -> memref<400xi32, #tpu.memory_space<vmem>>
        %dma_wait3A_171 = arith.constant 0 : i32
        %dma_wait3A_172 = arith.constant 0 : i32
        %dma_wait3A_173 = tpu.memref_slice %arg11[%dma_wait3A_171, %dma_wait3A_172] : memref<10000x64xf32, #tpu.memory_space<vmem_shared>> -> memref<10000x64xf32, #tpu.memory_space<vmem_shared>>
        tpu.wait_indirect_dma semaphore(%arg18 : memref<!tpu.dma_semaphore, #tpu.memory_space<semaphore_mem>>) src(%arg10 : memref<400x64xf32, #tpu.memory_space<vmem>>) dst(%dma_wait3A_173 : memref<10000x64xf32, #tpu.memory_space<vmem_shared>>)
      } else {
      }
      %add3A_97 = arith.constant 2 : i32
      %add3A_98 = arith.addi %add3A_80, %add3A_97 : i32
      %lt3A_99 = arith.constant 50 : i32
      %lt3A_100 = arith.cmpi slt, %add3A_98, %lt3A_99 : i32
      %convert_element_type3A_101 = arith.extui %lt3A_100 : i1 to i32
      %cond3A_102 = arith.constant 0 : i32
      %cond3A_103 = arith.cmpi ne, %convert_element_type3A_101, %cond3A_102 : i32
      scf.if %cond3A_103 {
        %add3A_167 = arith.constant 2 : i32
        %add3A_168 = arith.addi %add3A_80, %add3A_167 : i32
        %dma_start3A_169 = arith.constant 0 : i32
        %dma_start3A_170 = arith.constant 0 : i32
        %dma_start3A_171 = tpu.memref_slice %arg3[%arg1, %add3A_168, %dma_start3A_169, %dma_start3A_170] : memref<16x50x2x400xi32, #tpu.memory_space<hbm>> -> memref<1x1x2x400xi32, #tpu.memory_space<hbm>>
        %dma_start3A_172 = tpu.memref_squeeze %dma_start3A_171 : memref<1x1x2x400xi32, #tpu.memory_space<hbm>> -> memref<2x400xi32, #tpu.memory_space<hbm>>
        %dma_start3A_173 = arith.constant 0 : i32
        %dma_start3A_174 = arith.constant 0 : i32
        %dma_start3A_175 = tpu.memref_slice %arg3[%arg1, %add3A_168, %dma_start3A_173, %dma_start3A_174] : memref<16x50x2x400xi32, #tpu.memory_space<hbm>> -> memref<1x1x2x400xi32, #tpu.memory_space<hbm>>
        %dma_start3A_176 = tpu.memref_squeeze %dma_start3A_175 : memref<1x1x2x400xi32, #tpu.memory_space<hbm>> -> memref<2x400xi32, #tpu.memory_space<hbm>>
        tpu.enqueue_dma source(%dma_start3A_176 : memref<2x400xi32, #tpu.memory_space<hbm>>) target(%arg7 : memref<2x400xi32, #tpu.memory_space<vmem>>) target_semaphore(%arg17 : memref<!tpu.dma_semaphore, #tpu.memory_space<semaphore_mem>>)
      } else {
      }
      %mul3A_104 = arith.constant 3 : i32
      %mul3A_105 = arith.muli %mul3A_104, %scan3A_76 : i32
      %add3A_106 = arith.constant 1 : i32
      %add3A_107 = arith.addi %mul3A_105, %add3A_106 : i32
      %add3A_108 = arith.constant 1 : i32
      %add3A_109 = arith.addi %add3A_107, %add3A_108 : i32
      %lt3A_110 = arith.constant 50 : i32
      %lt3A_111 = arith.cmpi slt, %add3A_109, %lt3A_110 : i32
      %convert_element_type3A_112 = arith.extui %lt3A_111 : i1 to i32
      %cond3A_113 = arith.constant 0 : i32
      %cond3A_114 = arith.cmpi ne, %convert_element_type3A_112, %cond3A_113 : i32
      scf.if %cond3A_114 {
        %add3A_167 = arith.constant 1 : i32
        %add3A_168 = arith.addi %add3A_107, %add3A_167 : i32
        %dma_wait3A_169 = arith.constant 0 : i32
        %dma_wait3A_170 = arith.constant 0 : i32
        %dma_wait3A_171 = tpu.memref_slice %arg3[%arg1, %add3A_168, %dma_wait3A_169, %dma_wait3A_170] : memref<16x50x2x400xi32, #tpu.memory_space<hbm>> -> memref<1x1x2x400xi32, #tpu.memory_space<hbm>>
        %dma_wait3A_172 = tpu.memref_squeeze %dma_wait3A_171 : memref<1x1x2x400xi32, #tpu.memory_space<hbm>> -> memref<2x400xi32, #tpu.memory_space<hbm>>
        %dma_wait3A_173 = arith.constant 0 : i32
        %dma_wait3A_174 = arith.constant 0 : i32
        %dma_wait3A_175 = tpu.memref_slice %arg3[%arg1, %add3A_168, %dma_wait3A_173, %dma_wait3A_174] : memref<16x50x2x400xi32, #tpu.memory_space<hbm>> -> memref<1x1x2x400xi32, #tpu.memory_space<hbm>>
        %dma_wait3A_176 = tpu.memref_squeeze %dma_wait3A_175 : memref<1x1x2x400xi32, #tpu.memory_space<hbm>> -> memref<2x400xi32, #tpu.memory_space<hbm>>
        tpu.wait_dma2 semaphore(%arg17 : memref<!tpu.dma_semaphore, #tpu.memory_space<semaphore_mem>>) src(%dma_wait3A_176 : memref<2x400xi32, #tpu.memory_space<hbm>>) dst(%arg7 : memref<2x400xi32, #tpu.memory_space<vmem>>)
        %dma_start3A_177 = arith.constant 0 : i32
        %dma_start3A_178 = arith.constant 0 : i32
        %dma_start3A_179 = tpu.memref_slice %arg7[%dma_start3A_177, %dma_start3A_178] : memref<2x400xi32, #tpu.memory_space<vmem>> -> memref<1x400xi32, #tpu.memory_space<vmem>>
        %dma_start3A_180 = tpu.memref_squeeze %dma_start3A_179 : memref<1x400xi32, #tpu.memory_space<vmem>> -> memref<400xi32, #tpu.memory_space<vmem>>
        %dma_start3A_181 = arith.constant 0 : i32
        %dma_start3A_182 = tpu.memref_slice %arg2[%arg0, %dma_start3A_181] : memref<20000x64xf32, #tpu.memory_space<hbm>> -> memref<19999x64xf32, #tpu.memory_space<hbm>>
        %dma_start3A_183 = arith.constant 0 : i32
        %dma_start3A_184 = arith.constant 0 : i32
        %dma_start3A_185 = tpu.memref_slice %dma_start3A_182[%dma_start3A_183, %dma_start3A_184] : memref<19999x64xf32, #tpu.memory_space<hbm>> -> memref<19999x64xf32, #tpu.memory_space<hbm>>
        tpu.enqueue_indirect_dma source(%dma_start3A_185 : memref<19999x64xf32, #tpu.memory_space<hbm>>) target(%arg10 : memref<400x64xf32, #tpu.memory_space<vmem>>) offsets(%dma_start3A_180 : memref<400xi32, #tpu.memory_space<vmem>>) semaphore(%arg14 : memref<!tpu.dma_semaphore, #tpu.memory_space<semaphore_mem>>)
      } else {
      }
      %lt3A_115 = arith.constant 50 : i32
      %lt3A_116 = arith.cmpi slt, %add3A_107, %lt3A_115 : i32
      %convert_element_type3A_117 = arith.extui %lt3A_116 : i1 to i32
      %cond3A_118 = arith.constant 0 : i32
      %cond3A_119 = arith.cmpi ne, %convert_element_type3A_117, %cond3A_118 : i32
      scf.if %cond3A_119 {
        %dma_wait3A_167 = arith.constant 0 : i32
        %dma_wait3A_168 = arith.constant 0 : i32
        %dma_wait3A_169 = tpu.memref_slice %arg6[%dma_wait3A_167, %dma_wait3A_168] : memref<2x400xi32, #tpu.memory_space<vmem>> -> memref<1x400xi32, #tpu.memory_space<vmem>>
        %dma_wait3A_170 = tpu.memref_squeeze %dma_wait3A_169 : memref<1x400xi32, #tpu.memory_space<vmem>> -> memref<400xi32, #tpu.memory_space<vmem>>
        %dma_wait3A_171 = arith.constant 0 : i32
        %dma_wait3A_172 = tpu.memref_slice %arg2[%arg0, %dma_wait3A_171] : memref<20000x64xf32, #tpu.memory_space<hbm>> -> memref<19999x64xf32, #tpu.memory_space<hbm>>
        %dma_wait3A_173 = arith.constant 0 : i32
        %dma_wait3A_174 = arith.constant 0 : i32
        %dma_wait3A_175 = tpu.memref_slice %dma_wait3A_172[%dma_wait3A_173, %dma_wait3A_174] : memref<19999x64xf32, #tpu.memory_space<hbm>> -> memref<19999x64xf32, #tpu.memory_space<hbm>>
        tpu.wait_indirect_dma semaphore(%arg13 : memref<!tpu.dma_semaphore, #tpu.memory_space<semaphore_mem>>) src(%dma_wait3A_175 : memref<19999x64xf32, #tpu.memory_space<hbm>>) dst(%arg9 : memref<400x64xf32, #tpu.memory_space<vmem>>)
        %dma_start3A_176 = arith.constant 1 : i32
        %dma_start3A_177 = arith.constant 0 : i32
        %dma_start3A_178 = tpu.memref_slice %arg6[%dma_start3A_176, %dma_start3A_177] : memref<2x400xi32, #tpu.memory_space<vmem>> -> memref<1x400xi32, #tpu.memory_space<vmem>>
        %dma_start3A_179 = tpu.memref_squeeze %dma_start3A_178 : memref<1x400xi32, #tpu.memory_space<vmem>> -> memref<400xi32, #tpu.memory_space<vmem>>
        %dma_start3A_180 = arith.constant 0 : i32
        %dma_start3A_181 = arith.constant 0 : i32
        %dma_start3A_182 = tpu.memref_slice %arg11[%dma_start3A_180, %dma_start3A_181] : memref<10000x64xf32, #tpu.memory_space<vmem_shared>> -> memref<10000x64xf32, #tpu.memory_space<vmem_shared>>
        tpu.enqueue_indirect_dma source(%arg9 : memref<400x64xf32, #tpu.memory_space<vmem>>) target(%dma_start3A_182 : memref<10000x64xf32, #tpu.memory_space<vmem_shared>>) offsets(%dma_start3A_179 : memref<400xi32, #tpu.memory_space<vmem>>) semaphore(%arg18 : memref<!tpu.dma_semaphore, #tpu.memory_space<semaphore_mem>>) {add = true}
      } else {
      }
      %ge3A_120 = arith.constant 1 : i32
      %ge3A_121 = arith.cmpi sge, %add3A_107, %ge3A_120 : i32
      %lt3A_122 = arith.constant 51 : i32
      %lt3A_123 = arith.cmpi slt, %add3A_107, %lt3A_122 : i32
      %and3A_124 = arith.andi %ge3A_121, %lt3A_123 : i1
      %convert_element_type3A_125 = arith.extui %and3A_124 : i1 to i32
      %cond3A_126 = arith.constant 0 : i32
      %cond3A_127 = arith.cmpi ne, %convert_element_type3A_125, %cond3A_126 : i32
      scf.if %cond3A_127 {
        %dma_wait3A_167 = arith.constant 1 : i32
        %dma_wait3A_168 = arith.constant 0 : i32
        %dma_wait3A_169 = tpu.memref_slice %arg5[%dma_wait3A_167, %dma_wait3A_168] : memref<2x400xi32, #tpu.memory_space<vmem>> -> memref<1x400xi32, #tpu.memory_space<vmem>>
        %dma_wait3A_170 = tpu.memref_squeeze %dma_wait3A_169 : memref<1x400xi32, #tpu.memory_space<vmem>> -> memref<400xi32, #tpu.memory_space<vmem>>
        %dma_wait3A_171 = arith.constant 0 : i32
        %dma_wait3A_172 = arith.constant 0 : i32
        %dma_wait3A_173 = tpu.memref_slice %arg11[%dma_wait3A_171, %dma_wait3A_172] : memref<10000x64xf32, #tpu.memory_space<vmem_shared>> -> memref<10000x64xf32, #tpu.memory_space<vmem_shared>>
        tpu.wait_indirect_dma semaphore(%arg18 : memref<!tpu.dma_semaphore, #tpu.memory_space<semaphore_mem>>) src(%arg8 : memref<400x64xf32, #tpu.memory_space<vmem>>) dst(%dma_wait3A_173 : memref<10000x64xf32, #tpu.memory_space<vmem_shared>>)
      } else {
      }
      %add3A_128 = arith.constant 2 : i32
      %add3A_129 = arith.addi %add3A_107, %add3A_128 : i32
      %lt3A_130 = arith.constant 50 : i32
      %lt3A_131 = arith.cmpi slt, %add3A_129, %lt3A_130 : i32
      %convert_element_type3A_132 = arith.extui %lt3A_131 : i1 to i32
      %cond3A_133 = arith.constant 0 : i32
      %cond3A_134 = arith.cmpi ne, %convert_element_type3A_132, %cond3A_133 : i32
      scf.if %cond3A_134 {
        %add3A_167 = arith.constant 2 : i32
        %add3A_168 = arith.addi %add3A_107, %add3A_167 : i32
        %dma_start3A_169 = arith.constant 0 : i32
        %dma_start3A_170 = arith.constant 0 : i32
        %dma_start3A_171 = tpu.memref_slice %arg3[%arg1, %add3A_168, %dma_start3A_169, %dma_start3A_170] : memref<16x50x2x400xi32, #tpu.memory_space<hbm>> -> memref<1x1x2x400xi32, #tpu.memory_space<hbm>>
        %dma_start3A_172 = tpu.memref_squeeze %dma_start3A_171 : memref<1x1x2x400xi32, #tpu.memory_space<hbm>> -> memref<2x400xi32, #tpu.memory_space<hbm>>
        %dma_start3A_173 = arith.constant 0 : i32
        %dma_start3A_174 = arith.constant 0 : i32
        %dma_start3A_175 = tpu.memref_slice %arg3[%arg1, %add3A_168, %dma_start3A_173, %dma_start3A_174] : memref<16x50x2x400xi32, #tpu.memory_space<hbm>> -> memref<1x1x2x400xi32, #tpu.memory_space<hbm>>
        %dma_start3A_176 = tpu.memref_squeeze %dma_start3A_175 : memref<1x1x2x400xi32, #tpu.memory_space<hbm>> -> memref<2x400xi32, #tpu.memory_space<hbm>>
        tpu.enqueue_dma source(%dma_start3A_176 : memref<2x400xi32, #tpu.memory_space<hbm>>) target(%arg5 : memref<2x400xi32, #tpu.memory_space<vmem>>) target_semaphore(%arg15 : memref<!tpu.dma_semaphore, #tpu.memory_space<semaphore_mem>>)
      } else {
      }
      %mul3A_135 = arith.constant 3 : i32
      %mul3A_136 = arith.muli %mul3A_135, %scan3A_76 : i32
      %add3A_137 = arith.constant 2 : i32
      %add3A_138 = arith.addi %mul3A_136, %add3A_137 : i32
      %add3A_139 = arith.constant 1 : i32
      %add3A_140 = arith.addi %add3A_138, %add3A_139 : i32
      %lt3A_141 = arith.constant 50 : i32
      %lt3A_142 = arith.cmpi slt, %add3A_140, %lt3A_141 : i32
      %convert_element_type3A_143 = arith.extui %lt3A_142 : i1 to i32
      %cond3A_144 = arith.constant 0 : i32
      %cond3A_145 = arith.cmpi ne, %convert_element_type3A_143, %cond3A_144 : i32
      scf.if %cond3A_145 {
        %add3A_167 = arith.constant 1 : i32
        %add3A_168 = arith.addi %add3A_138, %add3A_167 : i32
        %dma_wait3A_169 = arith.constant 0 : i32
        %dma_wait3A_170 = arith.constant 0 : i32
        %dma_wait3A_171 = tpu.memref_slice %arg3[%arg1, %add3A_168, %dma_wait3A_169, %dma_wait3A_170] : memref<16x50x2x400xi32, #tpu.memory_space<hbm>> -> memref<1x1x2x400xi32, #tpu.memory_space<hbm>>
        %dma_wait3A_172 = tpu.memref_squeeze %dma_wait3A_171 : memref<1x1x2x400xi32, #tpu.memory_space<hbm>> -> memref<2x400xi32, #tpu.memory_space<hbm>>
        %dma_wait3A_173 = arith.constant 0 : i32
        %dma_wait3A_174 = arith.constant 0 : i32
        %dma_wait3A_175 = tpu.memref_slice %arg3[%arg1, %add3A_168, %dma_wait3A_173, %dma_wait3A_174] : memref<16x50x2x400xi32, #tpu.memory_space<hbm>> -> memref<1x1x2x400xi32, #tpu.memory_space<hbm>>
        %dma_wait3A_176 = tpu.memref_squeeze %dma_wait3A_175 : memref<1x1x2x400xi32, #tpu.memory_space<hbm>> -> memref<2x400xi32, #tpu.memory_space<hbm>>
        tpu.wait_dma2 semaphore(%arg15 : memref<!tpu.dma_semaphore, #tpu.memory_space<semaphore_mem>>) src(%dma_wait3A_176 : memref<2x400xi32, #tpu.memory_space<hbm>>) dst(%arg5 : memref<2x400xi32, #tpu.memory_space<vmem>>)
        %dma_start3A_177 = arith.constant 0 : i32
        %dma_start3A_178 = arith.constant 0 : i32
        %dma_start3A_179 = tpu.memref_slice %arg5[%dma_start3A_177, %dma_start3A_178] : memref<2x400xi32, #tpu.memory_space<vmem>> -> memref<1x400xi32, #tpu.memory_space<vmem>>
        %dma_start3A_180 = tpu.memref_squeeze %dma_start3A_179 : memref<1x400xi32, #tpu.memory_space<vmem>> -> memref<400xi32, #tpu.memory_space<vmem>>
        %dma_start3A_181 = arith.constant 0 : i32
        %dma_start3A_182 = tpu.memref_slice %arg2[%arg0, %dma_start3A_181] : memref<20000x64xf32, #tpu.memory_space<hbm>> -> memref<19999x64xf32, #tpu.memory_space<hbm>>
        %dma_start3A_183 = arith.constant 0 : i32
        %dma_start3A_184 = arith.constant 0 : i32
        %dma_start3A_185 = tpu.memref_slice %dma_start3A_182[%dma_start3A_183, %dma_start3A_184] : memref<19999x64xf32, #tpu.memory_space<hbm>> -> memref<19999x64xf32, #tpu.memory_space<hbm>>
        tpu.enqueue_indirect_dma source(%dma_start3A_185 : memref<19999x64xf32, #tpu.memory_space<hbm>>) target(%arg8 : memref<400x64xf32, #tpu.memory_space<vmem>>) offsets(%dma_start3A_180 : memref<400xi32, #tpu.memory_space<vmem>>) semaphore(%arg12 : memref<!tpu.dma_semaphore, #tpu.memory_space<semaphore_mem>>)
      } else {
      }
      %lt3A_146 = arith.constant 50 : i32
      %lt3A_147 = arith.cmpi slt, %add3A_138, %lt3A_146 : i32
      %convert_element_type3A_148 = arith.extui %lt3A_147 : i1 to i32
      %cond3A_149 = arith.constant 0 : i32
      %cond3A_150 = arith.cmpi ne, %convert_element_type3A_148, %cond3A_149 : i32
      scf.if %cond3A_150 {
        %dma_wait3A_167 = arith.constant 0 : i32
        %dma_wait3A_168 = arith.constant 0 : i32
        %dma_wait3A_169 = tpu.memref_slice %arg7[%dma_wait3A_167, %dma_wait3A_168] : memref<2x400xi32, #tpu.memory_space<vmem>> -> memref<1x400xi32, #tpu.memory_space<vmem>>
        %dma_wait3A_170 = tpu.memref_squeeze %dma_wait3A_169 : memref<1x400xi32, #tpu.memory_space<vmem>> -> memref<400xi32, #tpu.memory_space<vmem>>
        %dma_wait3A_171 = arith.constant 0 : i32
        %dma_wait3A_172 = tpu.memref_slice %arg2[%arg0, %dma_wait3A_171] : memref<20000x64xf32, #tpu.memory_space<hbm>> -> memref<19999x64xf32, #tpu.memory_space<hbm>>
        %dma_wait3A_173 = arith.constant 0 : i32
        %dma_wait3A_174 = arith.constant 0 : i32
        %dma_wait3A_175 = tpu.memref_slice %dma_wait3A_172[%dma_wait3A_173, %dma_wait3A_174] : memref<19999x64xf32, #tpu.memory_space<hbm>> -> memref<19999x64xf32, #tpu.memory_space<hbm>>
        tpu.wait_indirect_dma semaphore(%arg14 : memref<!tpu.dma_semaphore, #tpu.memory_space<semaphore_mem>>) src(%dma_wait3A_175 : memref<19999x64xf32, #tpu.memory_space<hbm>>) dst(%arg10 : memref<400x64xf32, #tpu.memory_space<vmem>>)
        %dma_start3A_176 = arith.constant 1 : i32
        %dma_start3A_177 = arith.constant 0 : i32
        %dma_start3A_178 = tpu.memref_slice %arg7[%dma_start3A_176, %dma_start3A_177] : memref<2x400xi32, #tpu.memory_space<vmem>> -> memref<1x400xi32, #tpu.memory_space<vmem>>
        %dma_start3A_179 = tpu.memref_squeeze %dma_start3A_178 : memref<1x400xi32, #tpu.memory_space<vmem>> -> memref<400xi32, #tpu.memory_space<vmem>>
        %dma_start3A_180 = arith.constant 0 : i32
        %dma_start3A_181 = arith.constant 0 : i32
        %dma_start3A_182 = tpu.memref_slice %arg11[%dma_start3A_180, %dma_start3A_181] : memref<10000x64xf32, #tpu.memory_space<vmem_shared>> -> memref<10000x64xf32, #tpu.memory_space<vmem_shared>>
        tpu.enqueue_indirect_dma source(%arg10 : memref<400x64xf32, #tpu.memory_space<vmem>>) target(%dma_start3A_182 : memref<10000x64xf32, #tpu.memory_space<vmem_shared>>) offsets(%dma_start3A_179 : memref<400xi32, #tpu.memory_space<vmem>>) semaphore(%arg18 : memref<!tpu.dma_semaphore, #tpu.memory_space<semaphore_mem>>) {add = true}
      } else {
      }
      %ge3A_151 = arith.constant 1 : i32
      %ge3A_152 = arith.cmpi sge, %add3A_138, %ge3A_151 : i32
      %lt3A_153 = arith.constant 51 : i32
      %lt3A_154 = arith.cmpi slt, %add3A_138, %lt3A_153 : i32
      %and3A_155 = arith.andi %ge3A_152, %lt3A_154 : i1
      %convert_element_type3A_156 = arith.extui %and3A_155 : i1 to i32
      %cond3A_157 = arith.constant 0 : i32
      %cond3A_158 = arith.cmpi ne, %convert_element_type3A_156, %cond3A_157 : i32
      scf.if %cond3A_158 {
        %dma_wait3A_167 = arith.constant 1 : i32
        %dma_wait3A_168 = arith.constant 0 : i32
        %dma_wait3A_169 = tpu.memref_slice %arg6[%dma_wait3A_167, %dma_wait3A_168] : memref<2x400xi32, #tpu.memory_space<vmem>> -> memref<1x400xi32, #tpu.memory_space<vmem>>
        %dma_wait3A_170 = tpu.memref_squeeze %dma_wait3A_169 : memref<1x400xi32, #tpu.memory_space<vmem>> -> memref<400xi32, #tpu.memory_space<vmem>>
        %dma_wait3A_171 = arith.constant 0 : i32
        %dma_wait3A_172 = arith.constant 0 : i32
        %dma_wait3A_173 = tpu.memref_slice %arg11[%dma_wait3A_171, %dma_wait3A_172] : memref<10000x64xf32, #tpu.memory_space<vmem_shared>> -> memref<10000x64xf32, #tpu.memory_space<vmem_shared>>
        tpu.wait_indirect_dma semaphore(%arg18 : memref<!tpu.dma_semaphore, #tpu.memory_space<semaphore_mem>>) src(%arg9 : memref<400x64xf32, #tpu.memory_space<vmem>>) dst(%dma_wait3A_173 : memref<10000x64xf32, #tpu.memory_space<vmem_shared>>)
      } else {
      }
      %add3A_159 = arith.constant 2 : i32
      %add3A_160 = arith.addi %add3A_138, %add3A_159 : i32
      %lt3A_161 = arith.constant 50 : i32
      %lt3A_162 = arith.cmpi slt, %add3A_160, %lt3A_161 : i32
      %convert_element_type3A_163 = arith.extui %lt3A_162 : i1 to i32
      %cond3A_164 = arith.constant 0 : i32
      %cond3A_165 = arith.cmpi ne, %convert_element_type3A_163, %cond3A_164 : i32
      scf.if %cond3A_165 {
        %add3A_167 = arith.constant 2 : i32
        %add3A_168 = arith.addi %add3A_138, %add3A_167 : i32
        %dma_start3A_169 = arith.constant 0 : i32
        %dma_start3A_170 = arith.constant 0 : i32
        %dma_start3A_171 = tpu.memref_slice %arg3[%arg1, %add3A_168, %dma_start3A_169, %dma_start3A_170] : memref<16x50x2x400xi32, #tpu.memory_space<hbm>> -> memref<1x1x2x400xi32, #tpu.memory_space<hbm>>
        %dma_start3A_172 = tpu.memref_squeeze %dma_start3A_171 : memref<1x1x2x400xi32, #tpu.memory_space<hbm>> -> memref<2x400xi32, #tpu.memory_space<hbm>>
        %dma_start3A_173 = arith.constant 0 : i32
        %dma_start3A_174 = arith.constant 0 : i32
        %dma_start3A_175 = tpu.memref_slice %arg3[%arg1, %add3A_168, %dma_start3A_173, %dma_start3A_174] : memref<16x50x2x400xi32, #tpu.memory_space<hbm>> -> memref<1x1x2x400xi32, #tpu.memory_space<hbm>>
        %dma_start3A_176 = tpu.memref_squeeze %dma_start3A_175 : memref<1x1x2x400xi32, #tpu.memory_space<hbm>> -> memref<2x400xi32, #tpu.memory_space<hbm>>
        tpu.enqueue_dma source(%dma_start3A_176 : memref<2x400xi32, #tpu.memory_space<hbm>>) target(%arg6 : memref<2x400xi32, #tpu.memory_space<vmem>>) target_semaphore(%arg16 : memref<!tpu.dma_semaphore, #tpu.memory_space<semaphore_mem>>)
      } else {
      }
      %scan3A_166 = arith.constant 0 : i32
      scf.yield %scan3A_166 : i32
    }
    %scan3A_62 = arith.constant 18 : i32
    %barrier3A_63 = arith.constant 0 : index
    tpu.barrier barrier_id(%barrier3A_63)
    %while3A_64 = arith.constant 0 : i32
    %while3A_65 = arith.constant 0 : i32
    %while3A_66 = arith.subi %select_n3A, %while3A_64 : i32
    %while3A_67 = arith.addi %while3A_64, %while3A_66 : i32
    %while3A_68 = arith.constant 1 : i32
    %while3A_69 = arith.divsi %while3A_66, %while3A_68 : i32
    %while3A_70 = arith.muli %while3A_69, %while3A_68 : i32
    %while3A_71 = arith.addi %while3A_64, %while3A_70 : i32
    %while3A_72 = arith.constant 1 : i32
    %while3A_73 = scf.for %while3A_76 = %while3A_64 to %while3A_71 step %while3A_72 iter_args(%while3A_77 = %while3A_65) -> (i32)  : i32 {
      %mul3A_78 = arith.constant 80 : i32
      %mul3A_79 = arith.muli %while3A_76, %mul3A_78 : i32
      %add3A = arith.addi %mul3A_0, %mul3A_79 : i32
      "tpu.region"() ({
        %run_scoped3A = tpu.sem_alloc : memref<!tpu.dma_semaphore, #tpu.memory_space<semaphore_mem>>
        %dma_start3A_81 = tpu.memref_slice %arg4[%add3A, %mul3A_21] : memref<10000x128xf32, #tpu.memory_space<hbm>> -> memref<80x64xf32, #tpu.memory_space<hbm>>
        %dma_start3A_82 = arith.constant 0 : i32
        %dma_start3A_83 = tpu.memref_slice %arg11[%add3A, %dma_start3A_82] : memref<10000x64xf32, #tpu.memory_space<vmem_shared>> -> memref<80x64xf32, #tpu.memory_space<vmem_shared>>
        tpu.enqueue_dma source(%dma_start3A_83 : memref<80x64xf32, #tpu.memory_space<vmem_shared>>) target(%dma_start3A_81 : memref<80x64xf32, #tpu.memory_space<hbm>>) target_semaphore(%run_scoped3A : memref<!tpu.dma_semaphore, #tpu.memory_space<semaphore_mem>>)
        %dma_wait3A_84 = tpu.memref_slice %arg4[%add3A, %mul3A_21] : memref<10000x128xf32, #tpu.memory_space<hbm>> -> memref<80x64xf32, #tpu.memory_space<hbm>>
        %dma_wait3A_85 = arith.constant 0 : i32
        %dma_wait3A_86 = tpu.memref_slice %arg11[%add3A, %dma_wait3A_85] : memref<10000x64xf32, #tpu.memory_space<vmem_shared>> -> memref<80x64xf32, #tpu.memory_space<vmem_shared>>
        tpu.wait_dma2 semaphore(%run_scoped3A : memref<!tpu.dma_semaphore, #tpu.memory_space<semaphore_mem>>) src(%dma_wait3A_86 : memref<80x64xf32, #tpu.memory_space<vmem_shared>>) dst(%dma_wait3A_84 : memref<80x64xf32, #tpu.memory_space<hbm>>)
        tpu.yield
      }) : () -> ()
      %while3A_80 = arith.constant 0 : i32
      scf.yield %while3A_80 : i32
    }
    %while3A_74 = arith.constant 1 : i32
    %while3A_75 = scf.for %while3A_76 = %while3A_71 to %while3A_67 step %while3A_74 iter_args(%while3A_77 = %while3A_73) -> (i32)  : i32 {
      %mul3A_78 = arith.constant 80 : i32
      %mul3A_79 = arith.muli %while3A_76, %mul3A_78 : i32
      %add3A = arith.addi %mul3A_0, %mul3A_79 : i32
      "tpu.region"() ({
        %run_scoped3A = tpu.sem_alloc : memref<!tpu.dma_semaphore, #tpu.memory_space<semaphore_mem>>
        %dma_start3A_81 = tpu.memref_slice %arg4[%add3A, %mul3A_21] : memref<10000x128xf32, #tpu.memory_space<hbm>> -> memref<80x64xf32, #tpu.memory_space<hbm>>
        %dma_start3A_82 = arith.constant 0 : i32
        %dma_start3A_83 = tpu.memref_slice %arg11[%add3A, %dma_start3A_82] : memref<10000x64xf32, #tpu.memory_space<vmem_shared>> -> memref<80x64xf32, #tpu.memory_space<vmem_shared>>
        tpu.enqueue_dma source(%dma_start3A_83 : memref<80x64xf32, #tpu.memory_space<vmem_shared>>) target(%dma_start3A_81 : memref<80x64xf32, #tpu.memory_space<hbm>>) target_semaphore(%run_scoped3A : memref<!tpu.dma_semaphore, #tpu.memory_space<semaphore_mem>>)
        %dma_wait3A_84 = tpu.memref_slice %arg4[%add3A, %mul3A_21] : memref<10000x128xf32, #tpu.memory_space<hbm>> -> memref<80x64xf32, #tpu.memory_space<hbm>>
        %dma_wait3A_85 = arith.constant 0 : i32
        %dma_wait3A_86 = tpu.memref_slice %arg11[%add3A, %dma_wait3A_85] : memref<10000x64xf32, #tpu.memory_space<vmem_shared>> -> memref<80x64xf32, #tpu.memory_space<vmem_shared>>
        tpu.wait_dma2 semaphore(%run_scoped3A : memref<!tpu.dma_semaphore, #tpu.memory_space<semaphore_mem>>) src(%dma_wait3A_86 : memref<80x64xf32, #tpu.memory_space<vmem_shared>>) dst(%dma_wait3A_84 : memref<80x64xf32, #tpu.memory_space<hbm>>)
        tpu.yield
      }) : () -> ()
      %while3A_80 = arith.constant 0 : i32
      scf.yield %while3A_80 : i32
    }
    return
  }
}

module attributes {stable_mosaic.version = 14 : i64} {
  func.func @_final_body(%arg0: i32, %arg1: memref<1000x128xf32, #tpu.memory_space<vmem>>, %arg2: memref<1000x128xf32, #tpu.memory_space<vmem>>, %arg3: memref<128x128xf32, #tpu.memory_space<vmem>>, %arg4: memref<1x128xf32, #tpu.memory_space<vmem>>, %arg5: memref<1x128xf32, #tpu.memory_space<vmem>>, %arg6: memref<1000x128xf32, #tpu.memory_space<vmem>>) attributes {dimension_semantics = [#tpu.dimension_semantics<arbitrary>], iteration_bounds = array<i64: 10>, scalar_prefetch = 0 : i64, scratch_operands = 0 : i64, tpu.core_type = #tpu.core_type<tc>, window_params = [{transform_indices = @transform_0, window_bounds = array<i64: 1000, 128>}, {transform_indices = @transform_1, window_bounds = array<i64: 1000, 128>}, {pipeline_mode = #tpu.pipeline_mode<synchronous>, transform_indices = @transform_2, window_bounds = array<i64: 128, 128>}, {pipeline_mode = #tpu.pipeline_mode<synchronous>, transform_indices = @transform_3, window_bounds = array<i64: 1, 128>}, {pipeline_mode = #tpu.pipeline_mode<synchronous>, transform_indices = @transform_4, window_bounds = array<i64: 1, 128>}, {transform_indices = @transform_5, window_bounds = array<i64: 1000, 128>}]} {
    %get3A = arith.constant 0 : index
    %get3A_0 = arith.constant 0 : index
    %get3A_1 = vector.load %arg3[%get3A, %get3A_0] : memref<128x128xf32, #tpu.memory_space<vmem>>, vector<128x128xf32>
    %get3A_2 = arith.constant 0 : index
    %get3A_3 = arith.constant 0 : index
    %get3A_4 = vector.load %arg4[%get3A_2, %get3A_3] : memref<1x128xf32, #tpu.memory_space<vmem>>, vector<1x128xf32>
    %mul3A = vector.broadcast %get3A_4 : vector<1x128xf32> to vector<128x128xf32>
    %mul3A_5 = arith.mulf %get3A_1, %mul3A : vector<128x128xf32>
    %get3A_6 = arith.constant 0 : index
    %get3A_7 = arith.constant 0 : index
    %get3A_8 = vector.load %arg1[%get3A_6, %get3A_7] : memref<1000x128xf32, #tpu.memory_space<vmem>>, vector<1000x128xf32>
    %dot_general3A = arith.constant dense<0.000000e+00> : vector<1000x128xf32>
    %dot_general3A_9 = tpu.matmul %get3A_8, %mul3A_5, %dot_general3A {dimension_numbers = #tpu.dot_dimension_numbers<[1], [0], [0], [1], [0, 0, 1, 1], [], []>, transpose_lhs_hint = false} : vector<1000x128xf32>, vector<128x128xf32>, vector<1000x128xf32> -> vector<1000x128xf32>
    %get3A_10 = arith.constant 0 : index
    %get3A_11 = arith.constant 0 : index
    %get3A_12 = vector.load %arg2[%get3A_10, %get3A_11] : memref<1000x128xf32, #tpu.memory_space<vmem>>, vector<1000x128xf32>
    %get3A_13 = arith.constant 0 : index
    %get3A_14 = arith.constant 0 : index
    %get3A_15 = vector.load %arg3[%get3A_13, %get3A_14] : memref<128x128xf32, #tpu.memory_space<vmem>>, vector<128x128xf32>
    %dot_general3A_16 = arith.constant dense<0.000000e+00> : vector<1000x128xf32>
    %dot_general3A_17 = tpu.matmul %get3A_12, %get3A_15, %dot_general3A_16 {dimension_numbers = #tpu.dot_dimension_numbers<[1], [0], [0], [1], [0, 0, 1, 1], [], []>, transpose_lhs_hint = false} : vector<1000x128xf32>, vector<128x128xf32>, vector<1000x128xf32> -> vector<1000x128xf32>
    %add3A = arith.addf %dot_general3A_9, %dot_general3A_17 : vector<1000x128xf32>
    %get3A_18 = arith.constant 0 : index
    %get3A_19 = arith.constant 0 : index
    %get3A_20 = vector.load %arg5[%get3A_18, %get3A_19] : memref<1x128xf32, #tpu.memory_space<vmem>>, vector<1x128xf32>
    %add3A_21 = vector.broadcast %get3A_20 : vector<1x128xf32> to vector<1000x128xf32>
    %add3A_22 = arith.addf %add3A, %add3A_21 : vector<1000x128xf32>
    %gt3A = arith.constant 0.000000e+00 : f32
    %gt3A_23 = vector.broadcast %gt3A : f32 to vector<1000x128xf32>
    %gt3A_24 = arith.cmpf ogt, %add3A_22, %gt3A_23 : vector<1000x128xf32>
    %mul3A_25 = arith.constant 1.05070102 : f32
    %mul3A_26 = vector.broadcast %mul3A_25 : f32 to vector<1000x128xf32>
    %mul3A_27 = arith.mulf %mul3A_26, %add3A_22 : vector<1000x128xf32>
    %exp3A = math.exp %add3A_22 : vector<1000x128xf32>
    %sub3A = arith.constant 1.000000e+00 : f32
    %sub3A_28 = vector.broadcast %sub3A : f32 to vector<1000x128xf32>
    %sub3A_29 = arith.subf %exp3A, %sub3A_28 : vector<1000x128xf32>
    %mul3A_30 = arith.constant 1.75809932 : f32
    %mul3A_31 = vector.broadcast %mul3A_30 : f32 to vector<1000x128xf32>
    %mul3A_32 = arith.mulf %mul3A_31, %sub3A_29 : vector<1000x128xf32>
    %select_n3A = arith.select %gt3A_24, %mul3A_27, %mul3A_32 : vector<1000x128xi1>, vector<1000x128xf32>
    %swap3A = arith.constant 0 : index
    %swap3A_33 = arith.constant 0 : index
    %swap3A_34 = vector.load %arg6[%swap3A, %swap3A_33] : memref<1000x128xf32, #tpu.memory_space<vmem>>, vector<1000x128xf32>
    tpu.vector_store %arg6[%swap3A, %swap3A_33], %select_n3A {strides = array<i32>} : memref<1000x128xf32, #tpu.memory_space<vmem>>, vector<1000x128xf32>,
    return
  }
  func.func @transform_0(%arg0: i32) -> (i32, i32) {
    %c0_i32 = arith.constant 0 : i32
    %c0_i32_0 = arith.constant 0 : i32
    return %arg0, %c0_i32 : i32, i32
  }
  func.func @transform_1(%arg0: i32) -> (i32, i32) {
    %c0_i32 = arith.constant 0 : i32
    %c0_i32_0 = arith.constant 0 : i32
    return %arg0, %c0_i32 : i32, i32
  }
  func.func @transform_2(%arg0: i32) -> (i32, i32) {
    %c0_i32 = arith.constant 0 : i32
    %c0_i32_0 = arith.constant 0 : i32
    %c0_i32_1 = arith.constant 0 : i32
    return %c0_i32, %c0_i32_0 : i32, i32
  }
  func.func @transform_3(%arg0: i32) -> (i32, i32) {
    %c0_i32 = arith.constant 0 : i32
    %c0_i32_0 = arith.constant 0 : i32
    %c0_i32_1 = arith.constant 0 : i32
    return %c0_i32, %c0_i32_0 : i32, i32
  }
  func.func @transform_4(%arg0: i32) -> (i32, i32) {
    %c0_i32 = arith.constant 0 : i32
    %c0_i32_0 = arith.constant 0 : i32
    %c0_i32_1 = arith.constant 0 : i32
    return %c0_i32, %c0_i32_0 : i32, i32
  }
  func.func @transform_5(%arg0: i32) -> (i32, i32) {
    %c0_i32 = arith.constant 0 : i32
    %c0_i32_0 = arith.constant 0 : i32
    return %arg0, %c0_i32 : i32, i32
  }
}

</mosaic_0001>

<sc_bundles>
// kernel: kernel.4.cloned.1.call-start
scs
__scs_entry_jumppad:
0x0: {  	(pc) =	sbr.rel $0x88, $3  }
0x1: {  	(tag) =	ssettag $0x0;
	lr =	simm.s32 $0x1  }
0x2: {  	[smem:$0x3F9C] =	sst lr;
	_ =	strace $0xD0000000  }
0x3: {  	_ = 	snop  }
0x4: {  	_ = 	snop  }
0x5: {  	_ = 	snop  }
0x6: {  	_ = 	snop  }
0x7: {  	_ = 	snop  }
__scs_overlays_trampoline_lowered:
0x8: {  	[smem:$0x3FAB] =	sst s0  }
0x9: {  	[smem:$0x3FAC] =	sst s1  }
0xa: {  	[smem:$0x3FAD] =	sst s2  }
0xb: {  	[smem:$0x3FAE] =	sst s3  }
0xc: {  	[smem:$0x3FAF] =	sst s4  }
0xd: {  	[smem:$0x3FB0] =	sst s5  }
0xe: {  	[smem:$0x3FB1] =	sst s6  }
0xf: {  	[smem:$0x3FB2] =	sst s7  }
0x10: {  	[smem:$0x3FB3] =	sst s8  }
0x11: {  	[smem:$0x3FB4] =	sst s9;
	s0 =	simm.s32 @!p0 $0x0  }
0x12: {  	s1 =	sld [smem:$0x3F9A];
	s0 =	simm.s32 @p0 $0x1  }
0x13: {  	[smem:$0x3FB5] =	sst s0;
	s0 =	simm.s32 @!p1 $0x0  }
0x14: {  	s2 =	sld [smem:$0x3F99];
	s0 =	simm.s32 @p1 $0x1  }
0x15: {  	[smem:$0x3FB6] =	sst s0;
	s0 =	simm.s32 @!p2 $0x0  }
0x16: {  	s3 =	sld [smem:$0x3FDB];
	s0 =	simm.s32 @p2 $0x1  }
0x17: {  	s4 =	simm.s32 $0x1BF5;
	[smem:$0x3FB8] =	sst s0  }
0x18: {  	s0 =	sld [smem:$0x3F9B];
	_ =	swait.ge [sflag:s4], $0x0  }
0x19: {  	s7 =	sld [smem:$0x3F9C]  }
0x1a: {  	s8 =	sadd.s32 $0xFFFFE003, lr  }
0x1b: {  	s9 =	sadd.s32 $0xFFFFFEF7, lr;
	s5 =	simm.s32 $0xFFFFFFFF;
	p2 =	slt.u32 s8, $0xFFFFF086  }
0x1c: {  	p1 =	slt.u32 s9, $0xF7A;
	s5 =	simm.s32 @!p2 $0x0  }
0x1d: {  	s5 =	simm.s32 @p1 $0x1;
	p0 =	seq.s32 s7, s2  }
0x1e: {  	s7 =	smul.u32 @!p0 $0xF7A, s2;
	p2 =	seq.s32 @!p0 s5, $0x0  }
0x1f: {  	s9 =	smul.u32 $0xF7A, s1;
	s8 =	simm.s32 @!p0 $0x1BF5;
	p2 =	por !p2, p0  }
0x20: {  	[sflag:s8] =	ssyncset.s32 @!p0 $0xFFFFF086;
	s6 =	sadd.s32 @!p0 s3, s7;
	s7 =	simm.s32 @!p0 $0x108  }
0x21: {  	s3 =	sadd.s32 s3, s9;
	s6 =	sadd.s32 @!p0 $0x88, s6;
	s7 =	simm.s32 @p2 $0x1082  }
0x22: {  	[simem:s7], [sflag:s8] =	dma.local @!p0 [hbm:s6], $0xF7A  }
0x23: {  	s9 =	sor.u32 $0xD0000000, s2;
	s6 =	simm.s32 $0x108;
	_ =	swait.ge @!p0 [sflag:s8], $0x0  }
0x24: {  	s3 =	sadd.s32 $0x88, s3;
	s6 =	simm.s32 @!p1 $0x1082;
	[sflag:s4] =	ssyncset.s32 $0xFFFFF086  }
0x25: {  	[simem:s6], [sflag:s4] =	dma.local [hbm:s3], $0xF7A  }
0x26: {  	[smem:$0x3F9C] =	sst s1;
	(tag) =	ssettag s2;
	_ =	strace s9  }
0x27: {  	s1 =	sld [smem:$0x3FAC]  }
0x28: {  	s2 =	sld [smem:$0x3FAD]  }
0x29: {  	s4 =	sld [smem:$0x3FAF]  }
0x2a: {  	p0 =	seq.s32 s5, $0x0;
	s5 =	sld [smem:$0x3FB0]  }
0x2b: {  	s6 =	sld [smem:$0x3FB1]  }
0x2c: {  	s7 =	sld [smem:$0x3FB2]  }
0x2d: {  	s3 =	simm.s32 $0x108;
	s8 =	sld [smem:$0x3FB3]  }
0x2e: {  	s3 =	simm.s32 @!p0 $0x1082;
	s9 =	sld [smem:$0x3FB4]  }
0x2f: {  	lr =	sadd.s32 s0, s3;
	s0 =	sld [smem:$0x3FAB]  }
0x30: {  	s3 =	sld [smem:$0x3FAE]  }
0x31: {  	[smem:$0x3FB7] =	sst s10  }
0x32: {  	s10 =	sld [smem:$0x3FB5];
	_ =	sdelay $0x3  }
0x33: {  	p0 =	seq.s32 s10, $0x1;
	s10 =	sld [smem:$0x3FB7];
	_ =	sdelay $0x3  }
0x34: {  	[smem:$0x3FB7] =	sst s10  }
0x35: {  	s10 =	sld [smem:$0x3FB6];
	_ =	sdelay $0x3  }
0x36: {  	p1 =	seq.s32 s10, $0x1;
	s10 =	sld [smem:$0x3FB7];
	_ =	sdelay $0x3  }
0x37: {  	[smem:$0x3FB7] =	sst s10  }
0x38: {  	s10 =	sld [smem:$0x3FB8]  }
0x39: {  	_ = 	snop;
	(pc) =	sbr.ind lr, $3  }
0x3a: {  	_ = 	snop  }
0x3b: {  	_ = 	snop  }
0x3c: {  	p2 =	seq.s32 s10, $0x1;
	s10 =	sld [smem:$0x3FB7]  }
0x3d: {  	_ =	shalt  }
0x3e: {  	_ =	shalt  }
0x3f: {  	_ =	shalt  }
0x40: {  	_ =	shalt  }
0x41: {  	_ =	shalt  }
0x42: {  	_ =	shalt  }
0x43: {  	_ =	shalt  }
0x44: {  	_ =	shalt  }
0x45: {  	_ =	shalt  }
0x46: {  	_ =	shalt  }
0x47: {  	_ =	shalt  }
0x48: {  	_ =	shalt  }
0x49: {  	_ =	shalt  }
0x4a: {  	_ =	shalt  }
0x4b: {  	_ =	shalt  }
0x4c: {  	_ =	shalt  }
0x4d: {  	_ =	shalt  }
0x4e: {  	_ =	shalt  }
0x4f: {  	_ =	shalt  }
0x50: {  	_ =	shalt  }
0x51: {  	_ =	shalt  }
0x52: {  	_ =	shalt  }
0x53: {  	_ =	shalt  }
0x54: {  	_ =	shalt  }
0x55: {  	_ =	shalt  }
0x56: {  	_ =	shalt  }
0x57: {  	_ =	shalt  }
0x58: {  	_ =	shalt  }
0x59: {  	_ =	shalt  }
0x5a: {  	_ =	shalt  }
0x5b: {  	_ =	shalt  }
0x5c: {  	_ =	shalt  }
0x5d: {  	_ =	shalt  }
0x5e: {  	_ =	shalt  }
0x5f: {  	_ =	shalt  }
0x60: {  	_ =	shalt  }
0x61: {  	_ =	shalt  }
0x62: {  	_ =	shalt  }
0x63: {  	_ =	shalt  }
0x64: {  	_ =	shalt  }
0x65: {  	_ =	shalt  }
0x66: {  	_ =	shalt  }
0x67: {  	_ =	shalt  }
0x68: {  	_ =	shalt  }
0x69: {  	_ =	shalt  }
0x6a: {  	_ =	shalt  }
0x6b: {  	_ =	shalt  }
0x6c: {  	_ =	shalt  }
0x6d: {  	_ =	shalt  }
0x6e: {  	_ =	shalt  }
0x6f: {  	_ =	shalt  }
0x70: {  	_ =	shalt  }
0x71: {  	_ =	shalt  }
0x72: {  	_ =	shalt  }
0x73: {  	_ =	shalt  }
0x74: {  	_ =	shalt  }
0x75: {  	_ =	shalt  }
0x76: {  	_ =	shalt  }
0x77: {  	_ =	shalt  }
0x78: {  	_ =	shalt  }
0x79: {  	_ =	shalt  }
0x7a: {  	_ =	shalt  }
0x7b: {  	_ =	shalt  }
0x7c: {  	_ =	shalt  }
0x7d: {  	_ =	shalt  }
0x7e: {  	_ =	shalt  }
0x7f: {  	_ =	shalt  }
0x80: {  	_ =	shalt  }
0x81: {  	_ =	shalt  }
0x82: {  	_ =	shalt  }
0x83: {  	_ =	shalt  }
0x84: {  	_ =	shalt  }
0x85: {  	_ =	shalt  }
0x86: {  	_ =	shalt  }
0x87: {  	_ =	shalt  }
.Lfunc_end0:
.L_simem_size_0:
called_computation_lowered:
.L_overlay_start_0:
0x88: {  	s2 =	sld [smem:$0x3FD9]  }
0x89: {  	s3 =	sld [smem:$0x3FFE];
	_ =	sdelay $0x1  }
0x8a: {  	s1 =	srdreg.scid  }
0x8b: {  	s0 =	sand.u32 $0x1, s1  }
0x8c: {  	s17 =	sshll.u32 s0, $0xA;
	s2 =	sadd.s32 s3, s2  }
0x8d: {  	s2 =	sadd.s32 s2, s17  }
0x8e: {  	[smem:$0x3FC3] =	sst s2  }
0x8f: {  	_ = 	snop  }
0x90: {  	s2 =	sld [smem:$0x3FC9]  }
0x91: {  	s18 =	sld [smem:$0x3FD0];
	(tm) =	ssettm $0x1  }
0x92: {  	s4 =	sld [smem:$0x3FFB];
	_ =	sdelay $0x3  }
0x93: {  	_ =	strace s4  }
0x94: {  	s4 =	sld [smem:$0x3FFC];
	_ =	sdelay $0x3  }
0x95: {  	_ =	strace s4  }
0x96: {  	s4 =	sld [smem:$0x3FFD];
	_ =	sdelay $0x3  }
0x97: {  	_ =	strace s4  }
0x98: {  	_ =	strace $0x8FFFFFFF  }
0x99: {  	s19 =	sld [smem:$0x3FDB];
	_ =	sdelay $0x1  }
0x9a: {  	s5 =	simm.s32 $_scs_section_size  }
0x9b: {  	s6 =	simm.s32 $_size__tile_overlayer_lowered;
	s7 =	simm.s32 $_tile_overlayer_lowered  }
0x9c: {  	s22 =	simm.s32 $0x1BFF;
	s21 =	sshll.u32 s7, $0x1;
	s4 =	sadd.s32 s5, s19  }
0x9d: {  	s8 =	simm.s32 $0x0;
	s20 =	sshll.u32 s6, $0x1;
	s6 =	sadd.s32 s21, s4  }
0x9e: {  	[timem:s8], [sflag:s22] =	dma.local [hbm:s6], s20  }
0x9f: {  	_ =	swait.ge [sflag:s22], s20  }
0xa0: {  	s5 =	ssub.s32 $0x0, s20;
	[sflag:s22] =	ssyncset.done $0x0  }
0xa1: {  	[sflag:s22] =	ssyncadd.s32 s5;
	_ =	sdelay $0x1  }
0xa2: {  	s23 =	simm.s32 $0x1B8B  }
0xa3: {  	_ =	swait.ge [sflag:s23], $0x1  }
0xa4: {  	[sflag:s23] =	ssyncset.done $0x0  }
0xa5: {  	s25 =	simm.s32 $0x1B8E;
	s24 =	sld [smem:$0x3FFE];
	[sflag:s23] =	ssyncadd.s32 $0xFFFFFFFF  }
0xa6: {  	s26 =	simm.s32 $execute0_lowered;
	[smem:$0x3FD2] =	sst s25  }
0xa7: {  	s6 =	sshll.u32 s26, $0x1;
	_ =	strace $0x80000046;
	[dreg:$0x1] =	wrdreg $0xFFFFFFFF  }
0xa8: {  	s28 =	simm.s32 $_size_execute0_lowered;
	s4 =	sadd.s32 s4, s6;
	[dreg:$0x0] =	wrdreg $0x0  }
0xa9: {  	s6 =	sshll.u32 s28, $0x1;
	[dreg:$0x2] =	wrdreg s4  }
0xaa: {  	[dreg:$0x3] =	wrdreg s6  }
0xab: {  	[dreg:$0x4] =	wrdreg $0xC0  }
0xac: {  	_ =	task [dreg:s8], $0x5FFFF  }
0xad: {  	[dreg:$0x1] =	wrdreg $0xFFFFFFFF  }
0xae: {  	[dreg:$0x0] =	wrdreg $0x60  }
0xaf: {  	[dreg:$0x2] =	wrdreg s2  }
0xb0: {  	[dreg:$0x3] =	wrdreg s24  }
0xb1: {  	[dreg:$0x4] =	wrdreg s18  }
0xb2: {  	[dreg:$0x5] =	wrdreg $0x135600  }
0xb3: {  	[dreg:$0x6] =	wrdreg $0x9  }
0xb4: {  	_ =	task.clear_ibuf [dreg:s8], $0x7FFFF;
	_ =	strace $0x90000046  }
0xb5: {  	s29 =	simm.s32 $0x9;
	_ =	strace $0x80000048  }
0xb6: {  	_ =	swait.ge [sflag:s29], $0x1  }
0xb7: {  	[sflag:s29] =	ssyncadd.s32 $0xFFFFFFFF  }
0xb8: {  	_ =	strace $0x90000048  }
0xb9: {  	_ =	sfence  }
0xba: {  	s30 =	sld [smem:$0x0];
	_ =	sdelay $0x2  }
0xbb: {  	s31 =	sshll.u32 s1, $0xD;
	s1 =	sshrl.u32 s1, $0x2  }
0xbc: {  	s3 =	sand.u32 $0x4000, s31;
	s1 =	sadd.s32 s1, s30  }
0xbd: {  	s0 =	sor.u32 s3, s0;
	s1 =	sshll.u32 s1, $0x11  }
0xbe: {  	s0 =	sor.u32 s1, s0  }
0xbf: {  	s0 =	sadd.s32 $0x8F2B, s0  }
0xc0: {  	[sflag:s0] =	ssyncadd.remote.s32 $0x1  }
0xc1: {  	_ =	sfence.sel $0xFFFF  }
0xc2: {  	[dreg:$0x0] =	wrdreg $0xFFFFFFFF;
	(pc) =	sbr.abs _section_cstart, $3  }
0xc3: {  	[dreg:$0x1] =	wrdreg $0xFFFFFFFF  }
0xc4: {  	_ =	task.clear_ibuf [dreg:s8], $0x2FFFF;
	_ =	strace $0x9FFFFFFF  }
0xc5: {  	(tm) =	ssettm $0x7FFFFFFF  }
tec
execute0_lowered:
.L_overlay_start_1:
0x0: {  	(tag) =	ssettag $0x1  }
0x1: {  	s8 =	rddreg [dreg:$0x0]  }
0x2: {  	s5 =	rddreg [dreg:$0x1]  }
0x3: {  	s1 =	rddreg [dreg:$0x2]  }
0x4: {  	s2 =	rddreg [dreg:$0x3]  }
0x5: {  	s3 =	srdreg.scid;
	s0 =	rddreg [dreg:$0x4];
	s4 =	simm.s32 $0x0  }
0x6: {  	s16 =	simm.s32 $0x4;
	s17 =	simm.s32 $0x190;
	s18 =	simm.s32 $0x1  }
0x7: {  	s19 =	simm.s32 $0x10;
	s9 =	sand.u32 $0x1, s3;
	s3 =	stileid.u32  }
0x8: {  	[smem:$0x7FF] =	sst s4;
	s11 =	sadd.s32 $0x1400, s5;
	s10 =	smul.u32 $0x9C40, s3  }
0x9: {  	s5 =	simm.s32 $0x5;
	s6 =	ssub.s32 $0x2, s9;
	s31 =	smul.u32 $0x28000, s3  }
0xa: {  	_ =	strace $0x80000047;
	p0 =	seq.s32 s3, $0xF;
	s14 =	smul.u32 $0x1388, s3  }
0xb: {  	s13 =	sshll.u32 s9, $0x6;
	s9 =	sshll.u32 s9, $0x3;
	s15 =	smul.u32 $0x14000, s3  }
0xc: {  	s7 =	sshrl.u32 s6, $0x1;
	s5 =	simm.s32 @!p0 $0x8;
	s8 =	sadd.s32 s8, s9  }
0xd: {  	s12 =	ssub.s32 s6, s7;
	s30 =	sshrl.u32 s10, $0x3;
	s10 =	sshrl.u32 s31, $0x2  }
0xe: {  	s6 =	sadd.s32 s11, s30;
	s9 =	smax.u32 s12, $0x1;
	s10 =	sadd.s32 s10, s2  }
0xf: {  	s11 =	sadd.s32 s14, s11;
	s12 =	sor.u32 s13, s15;
	s13 =	simm.s32 $0x960  }
0x10: {  	v0 =	vimm.f32 $0.0e+00;
	s14 =	simm.s32 $0x8;
	s15 =	simm.s32 $0x320;
	s7 =	sadd.s32 $0x64, s6  }
.LBB2_1:
0x11: {  	s21 =	simm.s32 $0x100;
	s20 =	simm.s32 $0x0  }
.LBB2_2:
0x12: {  	p0 =	sne.s32 s21, $0x4F00;
	[tilespmem:s20+$0x990] =	vst v0;
	s22 =	smov.u32 s21;
	s21 =	sadd.s32 $0x100, s21  }
.Ltmp0:
0x13: {  	[tilespmem:s20+$0x980] =	vst v0;
	(pc) =	sbr.rel @p0 .LBB2_2-.Ltmp0, $3  }
0x14: {  	[tilespmem:s20+$0x960] =	vst v0  }
0x15: {  	[tilespmem:s20+$0x970] =	vst v0;
	_ =	sdelay $0x1  }
0x16: {  	s20 =	sshra.s32 s22, $0x2  }
0x17: {  	[tilespmem:s20+$0x990] =	vst v0  }
0x18: {  	[tilespmem:s20+$0x980] =	vst v0;
	p0 =	sne.s32 s5, $0x1  }
.Ltmp1:
0x19: {  	[tilespmem:s20+$0x960] =	vst v0;
	(pc) =	sbr.rel @!p0 .LBB2_5-.Ltmp1, $4  }
0x1a: {  	[tilespmem:s20+$0x970] =	vst v0  }
0x1b: {  	[spmem:s10] =	stream.linear.scatter [tilespmem:s13], [sflag:$0x8], $0x1400, $0x38;
	[tilespmem:$0x1D1A0] =	vst v63  }
0x1c: {  	_ =	swait.ge [sflag:s14], $0x1400  }
0x1d: {  	s20 =	sadd.s32 $0xFFFFFFFF, s5;
	s21 =	smov.u32 s10;
	[sflag:s14] =	ssyncset.done $0x0  }
.LBB2_4:
0x1e: {  	p1 =	sne.s32 s20, $0x1;
	[sflag:s14] =	ssyncadd.s32 $0xFFFFEC00;
	s21 =	sadd.s32 $0x1400, s21  }
.Ltmp2:
0x1f: {  	s20 =	sadd.s32 $0xFFFFFFFF, s20;
	(pc) =	sbr.rel @p1 .LBB2_4-.Ltmp2, $4  }
0x20: {  	_ = 	snop  }
0x21: {  	[spmem:s21] =	stream.linear.scatter [tilespmem:s13], [sflag:$0x8], $0x1400, $0x38;
	[tilespmem:$0x1D1A0] =	vst v63  }
0x22: {  	_ =	swait.ge [sflag:s14], $0x1400  }
0x23: {  	[sflag:s14] =	ssyncset.done $0x0  }
.LBB2_5:
0x24: {  	[sflag:s14] =	ssyncadd.s32 $0xFFFFEC00  }
0x25: {  	s20 =	simm.s32 $0x0;
	[bflag:$0x0] =	sbarrier.arrive $0xFFFF  }
0x26: {  	[tilespmem:s20], [sflag:$0x4] =	stream.linear.gather [hbm4b:s6+s20], $0x320, $0x38;
	[tilespmem:$0x1D1A0] =	vst v63  }
0x27: {  	_ = 	snop  }
0x28: {  	[tilespmem:s15], [sflag:$0x5] =	stream.linear.gather [hbm4b:s7+s20], $0x320, $0x38;
	[tilespmem:$0x1D1A0] =	vst v63  }
0x29: {  	_ =	swait.ge [sflag:s16], $0x320  }
0x2a: {  	[sflag:s16] =	ssyncset.done $0x0  }
0x2b: {  	s21 =	simm.s32 $0xFFFFFFFF;
	s22 =	simm.s32 $0x0;
	[sflag:s16] =	ssyncadd.s32 $0xFFFFFCE0  }
0x2c: {  	[tilespmem:s13], [sflag:$0x1] =	stream.indirect.gather [hbm4b:s8+s17], $0x40, s20, s17, $0xb8;
	[tilespmem:$0x1D1A0] =	vst v63  }
.LBB2_6:
0x2d: {  	p1 =	seq.s32 s20, $0x13EC  }
0x2e: {  	s23 =	simm.s32 @!p1 $0x5  }
0x2f: {  	_ =	swait.ge @!p1 [sflag:s23], $0x320  }
0x30: {  	s24 =	simm.s32 @!p1 $0x320;
	[sflag:s23] =	ssyncset.done @!p1 $0x0  }
0x31: {  	s25 =	simm.s32 @!p1 $0x6D60;
	[sflag:s23] =	ssyncadd.s32 @!p1 $0xFFFFFCE0;
	s23 =	simm.s32 @!p1 $0x190  }
0x32: {  	[tilespmem:s25], [sflag:$0x2] =	stream.indirect.gather @!p1 [hbm4b:s8+s23], $0x40, s24, s23, $0xb8;
	[tilespmem:$0x1D1A0] =	vst v63  }
0x33: {  	s24 =	simm.s32 @!p1 $0x1  }
0x34: {  	_ =	swait.ge @!p1 [sflag:s24], $0x6400  }
0x35: {  	p2 =	sgt.u32 @!p1 s21, $0x31;
	[sflag:s24] =	ssyncset.done @!p1 $0x0  }
0x36: {  	p4 =	por p2, p1;
	[sflag:s24] =	ssyncadd.s32 @!p1 $0xFFFF9C00;
	s24 =	simm.s32 @!p1 $0x960  }
0x37: {  	[spmem:s2] =	stream.indirect.scatter.add.f32 @!p1 [tilespmem:s24], [sflag:$0x7], $0x40, s23, s23, $0xb8;
	[tilespmem:$0x1D1A0] =	vst v63  }
0x38: {  	s23 =	simm.s32 @!p4 $0x7  }
0x39: {  	p2 =	sgt.u32 @!p1 s22, $0xF;
	_ =	swait.ge @!p4 [sflag:s23], $0x6400  }
0x3a: {  	p3 =	por !p2, p1;
	[sflag:s23] =	ssyncset.done @!p4 $0x0  }
0x3b: {  	[sflag:s23] =	ssyncadd.s32 @!p4 $0xFFFF9C00;
	s23 =	simm.s32 @!p3 $0x2  }
0x3c: {  	_ =	swait.ge @!p3 [sflag:s23], $0x6400  }
0x3d: {  	s25 =	simm.s32 @!p3 $0x6D60;
	[sflag:s23] =	ssyncset.done @!p3 $0x0  }
0x3e: {  	s24 =	simm.s32 @!p3 $0x4B0;
	[sflag:s23] =	ssyncadd.s32 @!p3 $0xFFFF9C00;
	s23 =	simm.s32 @!p3 $0x190  }
0x3f: {  	[spmem:s2] =	stream.indirect.scatter.add.f32 @!p3 [tilespmem:s25], [sflag:$0x7], $0x40, s24, s23, $0xb8;
	[tilespmem:$0x1D1A0] =	vst v63  }
0x40: {  	s23 =	simm.s32 @!p3 $0x7  }
0x41: {  	_ =	swait.ge @!p3 [sflag:s23], $0x6400  }
0x42: {  	[sflag:s23] =	ssyncset.done @!p3 $0x0  }
0x43: {  	[sflag:s23] =	ssyncadd.s32 @!p3 $0xFFFF9C00  }
0x44: {  	_ =	swait.ge @!p3 [sflag:s23], $0x6400  }
0x45: {  	p2 =	por p2, p1;
	[sflag:s23] =	ssyncset.done @!p3 $0x0  }
0x46: {  	[sflag:s23] =	ssyncadd.s32 @!p3 $0xFFFF9C00;
	s23 =	sadd.s32 @!p2 s20, s11  }
0x47: {  	s26 =	simm.s32 @!p2 $0x640;
	s25 =	simm.s32 @!p2 $0x0;
	s24 =	sadd.s32 @!p2 $0xC8, s23  }
0x48: {  	[tilespmem:s26], [sflag:$0x6] =	stream.linear.gather @!p2 [hbm4b:s24+s25], $0x320, $0x38;
	[tilespmem:$0x1D1A0] =	vst v63  }
0x49: {  	s24 =	simm.s32 @!p2 $0x6  }
0x4a: {  	_ =	swait.ge @!p2 [sflag:s24], $0x320  }
0x4b: {  	[sflag:s24] =	ssyncset.done @!p2 $0x0  }
0x4c: {  	s28 =	simm.s32 @!p2 $0xD160;
	[sflag:s24] =	ssyncadd.s32 @!p2 $0xFFFFFCE0;
	s24 =	simm.s32 @!p2 $0x190  }
0x4d: {  	[tilespmem:s28], [sflag:$0x3] =	stream.indirect.gather @!p2 [hbm4b:s8+s24], $0x40, s26, s24, $0xb8;
	[tilespmem:$0x1D1A0] =	vst v63  }
0x4e: {  	s26 =	simm.s32 @!p2 $0x2  }
0x4f: {  	_ =	swait.ge @!p2 [sflag:s26], $0x6400  }
0x50: {  	[sflag:s26] =	ssyncset.done @!p2 $0x0  }
0x51: {  	s29 =	simm.s32 @!p2 $0x6D60;
	[sflag:s26] =	ssyncadd.s32 @!p2 $0xFFFF9C00;
	s26 =	simm.s32 @!p2 $0x4B0  }
0x52: {  	[spmem:s2] =	stream.indirect.scatter.add.f32 @!p2 [tilespmem:s29], [sflag:$0x7], $0x40, s26, s24, $0xb8;
	[tilespmem:$0x1D1A0] =	vst v63  }
0x53: {  	s26 =	simm.s32 @!p2 $0x7  }
0x54: {  	_ =	swait.ge @!p2 [sflag:s26], $0x6400  }
0x55: {  	[sflag:s26] =	ssyncset.done @!p2 $0x0  }
0x56: {  	s29 =	sadd.s32 @!p2 $0x12C, s23;
	[sflag:s26] =	ssyncadd.s32 @!p2 $0xFFFF9C00  }
0x57: {  	[tilespmem:s25], [sflag:$0x4] =	stream.linear.gather @!p2 [hbm4b:s29+s25], $0x320, $0x38;
	[tilespmem:$0x1D1A0] =	vst v63  }
0x58: {  	s29 =	simm.s32 @!p2 $0x4  }
0x59: {  	_ =	swait.ge @!p2 [sflag:s29], $0x320  }
0x5a: {  	[sflag:s29] =	ssyncset.done @!p2 $0x0  }
0x5b: {  	[sflag:s29] =	ssyncadd.s32 @!p2 $0xFFFFFCE0;
	s29 =	simm.s32 @!p2 $0x960  }
0x5c: {  	[tilespmem:s29], [sflag:$0x1] =	stream.indirect.gather @!p2 [hbm4b:s8+s24], $0x40, s25, s24, $0xb8;
	[tilespmem:$0x1D1A0] =	vst v63  }
0x5d: {  	s29 =	simm.s32 @!p2 $0x3  }
0x5e: {  	_ =	swait.ge @!p2 [sflag:s29], $0x6400  }
0x5f: {  	[sflag:s29] =	ssyncset.done @!p2 $0x0  }
0x60: {  	[sflag:s29] =	ssyncadd.s32 @!p2 $0xFFFF9C00;
	s29 =	simm.s32 @!p2 $0x7D0  }
0x61: {  	[spmem:s2] =	stream.indirect.scatter.add.f32 @!p2 [tilespmem:s28], [sflag:$0x7], $0x40, s29, s24, $0xb8;
	[tilespmem:$0x1D1A0] =	vst v63  }
0x62: {  	_ =	swait.ge @!p2 [sflag:s26], $0x6400  }
0x63: {  	s20 =	sadd.s32 @!p1 $0x12C, s20;
	[sflag:s26] =	ssyncset.done @!p2 $0x0  }
0x64: {  	s23 =	sadd.s32 @!p2 $0x190, s23;
	s24 =	simm.s32 @!p2 $0x320;
	[sflag:s26] =	ssyncadd.s32 @!p2 $0xFFFF9C00  }
0x65: {  	[tilespmem:s24], [sflag:$0x5] =	stream.linear.gather @!p2 [hbm4b:s23+s25], $0x320, $0x38;
	[tilespmem:$0x1D1A0] =	vst v63  }
0x66: {  	p2 =	sne.s32 @!p1 s20, $0x1518  }
0x67: {  	p2 =	por p1, !p2  }
.Ltmp3:
0x68: {  	_ = 	snop;
	(pc) =	sbr.rel @!p2 .LBB2_6-.Ltmp3, $2  }
0x69: {  	_ =	sdelay $0x2  }
0x6a: {  	s21 =	sadd.s32 @!p1 $0x3, s21;
	s22 =	sadd.s32 @!p1 $0x1, s22  }
.Ltmp4:
0x6b: {  	(pc) =	sbr.rel @!p0 .LBB2_9-.Ltmp4, $4  }
0x6c: {  	[bflag:$0x0] =	sbarrier.arrive $0xFFFF;
	s20 =	sshll.u32 s3, $0x6;
	s21 =	sshrl.u32 s12, $0x3  }
0x6d: {  	s22 =	sshrl.u32 s10, $0x3;
	s21 =	sadd.s32 s1, s21;
	s20 =	sor.u32 $0x1C08, s20  }
0x6e: {  	[hbm:s21@s19], [sflag:s20] =	dma.strided [spmem:s22@s14], $0x280, s18, $0x8   }
0x6f: {  	s23 =	smov.u32 s12;
	s21 =	sadd.s32 $0xFFFFFFFF, s5;
	s22 =	sadd.s32 $0x1400, s10  }
.LBB2_8:
0x70: {  	_ =	swait.ge [sflag:s14], $0x280  }
0x71: {  	s23 =	sadd.s32 $0x2800, s23;
	s25 =	sshrl.u32 s22, $0x3;
	p0 =	sne.s32 s21, $0x1  }
.Ltmp5:
0x72: {  	s24 =	sshrl.u32 s23, $0x3;
	[sflag:s14] =	ssyncset.done $0x0;
	(pc) =	sbr.rel @p0 .LBB2_8-.Ltmp5, $4  }
0x73: {  	s24 =	sadd.s32 s1, s24;
	[sflag:s14] =	ssyncadd.s32 $0xFFFFFD80  }
0x74: {  	[hbm:s24@s19], [sflag:s20] =	dma.strided [spmem:s25@s14], $0x280, s18, $0x8   }
0x75: {  	s21 =	sadd.s32 $0xFFFFFFFF, s21  }
0x76: {  	s22 =	sadd.s32 $0x1400, s22  }
.LBB2_9:
0x77: {  	s4 =	sadd.s32 $0x1, s4  }
0x78: {  	p0 =	sne.s32 s4, s9  }
.Ltmp6:
0x79: {  	_ = 	snop;
	(pc) =	sbr.rel @p0 .LBB2_1-.Ltmp6, $4  }
0x7a: {  	_ = 	snop  }
0x7b: {  	_ =	swait.ge [sflag:s14], $0x280  }
0x7c: {  	[sflag:s14] =	ssyncset.done $0x0  }
0x7d: {  	[sflag:s14] =	ssyncadd.s32 $0xFFFFFD80  }
0x7e: {  	_ =	sfence.sel $0x180000  }
0x7f: {  	[bflag:$0x0] =	sbarrier.arrive $0xFFFF  }
0x80: {  	p0 =	sne.s32 s3, $0x0;
	_ =	strace $0x90000047  }
0x81: {  	s0 =	sadd.s32 @!p0 $0x100000, s0;
	[bflag:$0x2] =	sbarrier.arrive $0xFFFF  }
0x82: {  	[sflag:s0] =	ssyncadd.tile.s32 @!p0 $0x1;
	_ =	shalt  }
.Lfunc_end2:
_tile_overlayer_lowered:
.L_overlay_start_2:
0x83: {  	(tag) =	ssettag $0x2  }
0x84: {  	s0 =	rddreg [dreg:$0x0];
	s2 =	stileid.u32  }
0x85: {  	s1 =	rddreg [dreg:$0x1];
	p0 =	sne.s32 s2, $0x0  }
0x86: {  	s3 =	rddreg [dreg:$0x2];
	[bflag:$0x3] =	sbarrier.arrive $0xFFFF;
	s2 =	simm.s32 @!p0 $0x1C08  }
0x87: {  	[timem:s3], [sflag:s2] =	dma.local @!p0 [hbm:s0], s1  }
0x88: {  	s0 =	simm.s32 @!p0 $0x8  }
0x89: {  	_ =	swait.ge @!p0 [sflag:s0], s1  }
0x8a: {  	s1 =	ssub.s32 @!p0 $0x0, s1;
	[sflag:s0] =	ssyncset.done @!p0 $0x0  }
0x8b: {  	[sflag:s0] =	ssyncadd.s32 @!p0 s1  }
0x8c: {  	[bflag:$0x3] =	sbarrier.arrive $0xFFFF  }
0x8d: {  	_ =	shalt  }

</sc_bundles>
